<compile_context>
chip_gen: v7x
topology: tpu7x:2x2x1
jax: 0.10.2.dev20260603
libtpu: 0.0.44.dev20260713+nightly
codegen_flags: <defaults>
</compile_context>

<pallas_src>
import functools

import jax
import jax.numpy as jnp
from jax import lax
from jax.experimental import pallas as pl
from jax.experimental.pallas import tpu as pltpu
from jax.experimental.pallas import tpu_sc as plsc

D_MODEL = 1024
SEQ = 8192
BATCH = 4
NC = 2
NS = 16
NW = NC * NS
LANES = 16
ROWS_PER_W = SEQ // NW
CHUNK = 8
NCHUNKS = ROWS_PER_W // CHUNK
VECS_PER_CHUNK = CHUNK * D_MODEL // LANES


def _sc_body(a_hbm, x_hbm, pt_hbm, pe_hbm, out_hbm,
             a_v, pt_v, pe_v, bl_v,
             x_v0, x_v1, x_v2, x_v3, o_v0, o_v1, o_v2, o_v3,
             pt_sem, pe_sem, x_sem0, x_sem1, x_sem2, x_sem3,
             o_sem0, o_sem1, o_sem2, o_sem3):
    cid = lax.axis_index("c")
    sid = lax.axis_index("s")
    wid = sid * NC + cid

    pltpu.sync_copy(a_hbm, a_v)
    t = a_v[...]
    a = 1.0 / (1.0 + jnp.exp(-t))
    b_coef = 1.0 - a

    base_row = wid * ROWS_PER_W
    x_bufs = (x_v0, x_v1, x_v2, x_v3)
    o_bufs = (o_v0, o_v1, o_v2, o_v3)
    x_sems = (x_sem0, x_sem1, x_sem2, x_sem3)
    o_sems = (o_sem0, o_sem1, o_sem2, o_sem3)

    def tables_copy(row0):
        return (
            pltpu.make_async_copy(pt_hbm.at[pl.ds(row0, CHUNK)], pt_v, pt_sem),
            pltpu.make_async_copy(pe_hbm.at[pl.ds(row0, CHUNK)], pe_v, pe_sem),
        )

    def x_copy(b, row0):
        return pltpu.make_async_copy(
            x_hbm.at[b, pl.ds(row0, CHUNK)], x_bufs[b], x_sems[b])

    def o_copy(b, row0):
        return pltpu.make_async_copy(
            o_bufs[b], out_hbm.at[b, pl.ds(row0, CHUNK)], o_sems[b])

    for cp in tables_copy(base_row):
        cp.start()
    for b in range(BATCH):
        x_copy(b, base_row).start()

    def chunk_body(c, carry):
        row0 = base_row + c * CHUNK
        nrow0 = row0 + CHUNK

        for cp in tables_copy(row0):
            cp.wait()
        x_copy(0, row0).wait()

        @pl.when(c > 0)
        def _():
            o_copy(0, row0 - CHUNK).wait()

        @plsc.parallel_loop(0, VECS_PER_CHUNK, unroll=8)
        def _blend(k):
            r = k >> 6
            idx = pl.ds((k & 63) * LANES, LANES)
            bl = a * pt_v[r, idx] + b_coef * pe_v[r, idx]
            bl_v[r, idx] = bl
            o_v0[r, idx] = x_v0[r, idx] + bl

        @pl.when(c < NCHUNKS - 1)
        def _():
            for cp in tables_copy(nrow0):
                cp.start()
        o_copy(0, row0).start()

        @pl.when(c < NCHUNKS - 1)
        def _():
            x_copy(0, nrow0).start()

        for b, (x_v, o_v) in enumerate(zip(x_bufs, o_bufs)):
            if b == 0:
                continue

            x_copy(b, row0).wait()

            @pl.when(c > 0)
            def _(b=b):
                o_copy(b, row0 - CHUNK).wait()

            @plsc.parallel_loop(0, VECS_PER_CHUNK, unroll=8)
            def _add(k, x_v=x_v, o_v=o_v):
                r = k >> 6
                idx = pl.ds((k & 63) * LANES, LANES)
                o_v[r, idx] = x_v[r, idx] + bl_v[r, idx]

            o_copy(b, row0).start()

            @pl.when(c < NCHUNKS - 1)
            def _(b=b):
                x_copy(b, nrow0).start()

        return carry

    lax.fori_loop(0, NCHUNKS, chunk_body, 0)

    last_row0 = base_row + (NCHUNKS - 1) * CHUNK
    for b in range(BATCH):
        o_copy(b, last_row0).wait()


def kernel(x, pos_table, alpha, pe):
    batch, seq_len, d_model = x.shape
    a16 = jnp.broadcast_to(jnp.reshape(alpha, (1,)), (LANES,)).astype(jnp.float32)
    pt = pos_table[:seq_len]
    fpe = pe[:seq_len]

    mesh = plsc.VectorSubcoreMesh(core_axis_name="c", subcore_axis_name="s")
    sck = functools.partial(
        pl.kernel,
        out_type=jax.ShapeDtypeStruct((batch, seq_len, d_model), jnp.float32),
        mesh=mesh,
        scratch_types=(
            [pltpu.VMEM((LANES,), jnp.float32)]
            + [pltpu.VMEM((CHUNK, D_MODEL), jnp.float32)] * 11
            + [pltpu.SemaphoreType.DMA] * 10
        ),
    )(_sc_body)
    return sck(a16, x, pt, fpe)

# --- scband reference (transcript-rebuilt; emitter-appended) ---
"""Pipeline reference for scband-temporal-positional-encoding-29506425323858 (READ-ONLY COPY).

The authoritative reference and input builder live on the scoring server;
editing this copy changes nothing except your own understanding.
"""

import jax, jax.numpy as jnp
import numpy as np

D_MODEL = 1024
MAX_LEN = 8192
BATCH = 4
SEQ_LEN = 8192


def _make_pe(max_len, d_model):
    position = jnp.arange(0, max_len, dtype=jnp.float32)[:, None]
    div_term = jnp.exp(jnp.arange(0, d_model, 2).astype(jnp.float32) * (-np.log(10000.0) / d_model))
    pe = jnp.zeros((max_len, d_model), dtype=jnp.float32)
    pe = pe.at[:, 0::2].set(jnp.sin(position * div_term))
    pe = pe.at[:, 1::2].set(jnp.cos(position * div_term))
    return pe


def setup_inputs(seed: int = 0) -> dict:
    key = jax.random.key(seed)
    k1, k2 = jax.random.split(key, 2)
    x = jax.random.normal(k1, (BATCH, SEQ_LEN, D_MODEL), dtype=jnp.float32)
    # learned parameters
    pos_table = jax.random.normal(k2, (MAX_LEN, D_MODEL), dtype=jnp.float32) * 0.02  # nn.Embedding weight
    alpha = jnp.asarray(0.5, dtype=jnp.float32)  # nn.Parameter
    # fixed sinusoidal buffer (non-trainable)
    pe = _make_pe(MAX_LEN, D_MODEL)
    return {"x": x, "pos_table": pos_table, "alpha": alpha, "pe": pe}


def reference(x, pos_table, alpha, pe):
    # dropout is identity in eval mode
    seq_len = x.shape[1]
    pos_indices = jnp.arange(seq_len)
    learned_pe = jnp.take(pos_table, pos_indices, axis=0)  # embedding gather
    fixed_pe = pe[:seq_len]
    a = jax.nn.sigmoid(alpha)
    return x + a * learned_pe + (1.0 - a) * fixed_pe

if __name__ == "__main__":
    import jax
    _d = setup_inputs()
    print(jax.jit(kernel)(*tuple(_d.values())))

</pallas_src>

<mosaic_0001>
#map = affine_map<(d0, d1) -> (0)>
#map1 = affine_map<(d0, d1) -> (0, 0, 0)>
#map2 = affine_map<(d0, d1) -> (0, 0)>
module attributes {stable_mosaic.version = 14 : i64} {
  func.func @_sc_body(%arg0: i32, %arg1: i32, %arg2: memref<16xf32, #tpu.memory_space<hbm>>, %arg3: memref<4x8192x1024xf32, #tpu.memory_space<hbm>>, %arg4: memref<8192x1024xf32, #tpu.memory_space<hbm>>, %arg5: memref<8192x1024xf32, #tpu.memory_space<hbm>>, %arg6: memref<4x8192x1024xf32, #tpu.memory_space<hbm>>, %arg7: memref<16xf32, #tpu.memory_space<vmem>>, %arg8: memref<8x1024xf32, #tpu.memory_space<vmem>>, %arg9: memref<8x1024xf32, #tpu.memory_space<vmem>>, %arg10: memref<8x1024xf32, #tpu.memory_space<vmem>>, %arg11: memref<8x1024xf32, #tpu.memory_space<vmem>>, %arg12: memref<8x1024xf32, #tpu.memory_space<vmem>>, %arg13: memref<8x1024xf32, #tpu.memory_space<vmem>>, %arg14: memref<8x1024xf32, #tpu.memory_space<vmem>>, %arg15: memref<8x1024xf32, #tpu.memory_space<vmem>>, %arg16: memref<8x1024xf32, #tpu.memory_space<vmem>>, %arg17: memref<8x1024xf32, #tpu.memory_space<vmem>>, %arg18: memref<8x1024xf32, #tpu.memory_space<vmem>>, %arg19: memref<!tpu.dma_semaphore, #tpu.memory_space<semaphore_mem>>, %arg20: memref<!tpu.dma_semaphore, #tpu.memory_space<semaphore_mem>>, %arg21: memref<!tpu.dma_semaphore, #tpu.memory_space<semaphore_mem>>, %arg22: memref<!tpu.dma_semaphore, #tpu.memory_space<semaphore_mem>>, %arg23: memref<!tpu.dma_semaphore, #tpu.memory_space<semaphore_mem>>, %arg24: memref<!tpu.dma_semaphore, #tpu.memory_space<semaphore_mem>>, %arg25: memref<!tpu.dma_semaphore, #tpu.memory_space<semaphore_mem>>, %arg26: memref<!tpu.dma_semaphore, #tpu.memory_space<semaphore_mem>>, %arg27: memref<!tpu.dma_semaphore, #tpu.memory_space<semaphore_mem>>, %arg28: memref<!tpu.dma_semaphore, #tpu.memory_space<semaphore_mem>>) attributes {dimension_semantics = [#tpu.dimension_semantics<core_parallel>, #tpu.dimension_semantics<subcore_parallel>], iteration_bounds = array<i64: 2, 16>, scalar_prefetch = 0 : i64, scratch_operands = 22 : i64, tpu.core_type = #tpu.core_type<sc_vector_subcore>, window_params = [{transform_indices = #map}, {transform_indices = #map1}, {transform_indices = #map2}, {transform_indices = #map2}, {transform_indices = #map1}]} {
    %mul3A = arith.constant 2 : i32
    %mul3A_0 = arith.muli %arg1, %mul3A : i32
    %add3A = arith.addi %mul3A_0, %arg0 : i32
    "tpu.region"() ({
      %run_scoped3A = tpu.sem_alloc : memref<!tpu.dma_semaphore, #tpu.memory_space<semaphore_mem>>
      tpu.enqueue_dma source(%arg2 : memref<16xf32, #tpu.memory_space<hbm>>) target(%arg7 : memref<16xf32, #tpu.memory_space<vmem>>) target_semaphore(%run_scoped3A : memref<!tpu.dma_semaphore, #tpu.memory_space<semaphore_mem>>)
      tpu.wait_dma2 semaphore(%run_scoped3A : memref<!tpu.dma_semaphore, #tpu.memory_space<semaphore_mem>>) src(%arg2 : memref<16xf32, #tpu.memory_space<hbm>>) dst(%arg7 : memref<16xf32, #tpu.memory_space<vmem>>)
      tpu.yield
    }) : () -> ()
    %get3A = arith.constant 0 : index
    %get3A_1 = tpu.vector_load %arg7[%get3A] {strides = array<i32>} : memref<16xf32, #tpu.memory_space<vmem>>, vector<16xf32>,
    %get3A_2 = vector.shape_cast %get3A_1 : vector<16xf32> to vector<16xf32>
    %neg3A = arith.constant 0.000000e+00 : f32
    %neg3A_3 = vector.broadcast %neg3A : f32 to vector<16xf32>
    %neg3A_4 = arith.subf %neg3A_3, %get3A_2 : vector<16xf32>
    %exp3A = math.exp %neg3A_4 : vector<16xf32>
    %add3A_5 = arith.constant 1.000000e+00 : f32
    %add3A_6 = vector.broadcast %add3A_5 : f32 to vector<16xf32>
    %add3A_7 = arith.addf %add3A_6, %exp3A : vector<16xf32>
    %div3A = arith.constant 1.000000e+00 : f32
    %div3A_8 = vector.broadcast %div3A : f32 to vector<16xf32>
    %div3A_9 = arith.divf %div3A_8, %add3A_7 : vector<16xf32>
    %sub3A = arith.constant 1.000000e+00 : f32
    %sub3A_10 = vector.broadcast %sub3A : f32 to vector<16xf32>
    %sub3A_11 = arith.subf %sub3A_10, %div3A_9 : vector<16xf32>
    %mul3A_12 = arith.constant 256 : i32
    %mul3A_13 = arith.muli %add3A, %mul3A_12 : i32
    %dma_start3A = arith.constant 0 : i32
    %dma_start3A_14 = tpu.memref_slice %arg4[%mul3A_13, %dma_start3A] : memref<8192x1024xf32, #tpu.memory_space<hbm>> -> memref<8x1024xf32, #tpu.memory_space<hbm>>
    %dma_start3A_15 = arith.constant 0 : i32
    %dma_start3A_16 = tpu.memref_slice %arg4[%mul3A_13, %dma_start3A_15] : memref<8192x1024xf32, #tpu.memory_space<hbm>> -> memref<8x1024xf32, #tpu.memory_space<hbm>>
    tpu.enqueue_dma source(%dma_start3A_16 : memref<8x1024xf32, #tpu.memory_space<hbm>>) target(%arg8 : memref<8x1024xf32, #tpu.memory_space<vmem>>) target_semaphore(%arg19 : memref<!tpu.dma_semaphore, #tpu.memory_space<semaphore_mem>>)
    %dma_start3A_17 = arith.constant 0 : i32
    %dma_start3A_18 = tpu.memref_slice %arg5[%mul3A_13, %dma_start3A_17] : memref<8192x1024xf32, #tpu.memory_space<hbm>> -> memref<8x1024xf32, #tpu.memory_space<hbm>>
    %dma_start3A_19 = arith.constant 0 : i32
    %dma_start3A_20 = tpu.memref_slice %arg5[%mul3A_13, %dma_start3A_19] : memref<8192x1024xf32, #tpu.memory_space<hbm>> -> memref<8x1024xf32, #tpu.memory_space<hbm>>
    tpu.enqueue_dma source(%dma_start3A_20 : memref<8x1024xf32, #tpu.memory_space<hbm>>) target(%arg9 : memref<8x1024xf32, #tpu.memory_space<vmem>>) target_semaphore(%arg20 : memref<!tpu.dma_semaphore, #tpu.memory_space<semaphore_mem>>)
    %dma_start3A_21 = arith.constant 0 : i32
    %dma_start3A_22 = arith.constant 0 : i32
    %dma_start3A_23 = tpu.memref_slice %arg3[%dma_start3A_21, %mul3A_13, %dma_start3A_22] : memref<4x8192x1024xf32, #tpu.memory_space<hbm>> -> memref<1x8x1024xf32, #tpu.memory_space<hbm>>
    %dma_start3A_24 = tpu.memref_squeeze %dma_start3A_23 : memref<1x8x1024xf32, #tpu.memory_space<hbm>> -> memref<8x1024xf32, #tpu.memory_space<hbm>>
    %dma_start3A_25 = arith.constant 0 : i32
    %dma_start3A_26 = tpu.memref_slice %arg3[%dma_start3A_21, %mul3A_13, %dma_start3A_25] : memref<4x8192x1024xf32, #tpu.memory_space<hbm>> -> memref<1x8x1024xf32, #tpu.memory_space<hbm>>
    %dma_start3A_27 = tpu.memref_squeeze %dma_start3A_26 : memref<1x8x1024xf32, #tpu.memory_space<hbm>> -> memref<8x1024xf32, #tpu.memory_space<hbm>>
    tpu.enqueue_dma source(%dma_start3A_27 : memref<8x1024xf32, #tpu.memory_space<hbm>>) target(%arg11 : memref<8x1024xf32, #tpu.memory_space<vmem>>) target_semaphore(%arg21 : memref<!tpu.dma_semaphore, #tpu.memory_space<semaphore_mem>>)
    %dma_start3A_28 = arith.constant 1 : i32
    %dma_start3A_29 = arith.constant 0 : i32
    %dma_start3A_30 = tpu.memref_slice %arg3[%dma_start3A_28, %mul3A_13, %dma_start3A_29] : memref<4x8192x1024xf32, #tpu.memory_space<hbm>> -> memref<1x8x1024xf32, #tpu.memory_space<hbm>>
    %dma_start3A_31 = tpu.memref_squeeze %dma_start3A_30 : memref<1x8x1024xf32, #tpu.memory_space<hbm>> -> memref<8x1024xf32, #tpu.memory_space<hbm>>
    %dma_start3A_32 = arith.constant 0 : i32
    %dma_start3A_33 = tpu.memref_slice %arg3[%dma_start3A_28, %mul3A_13, %dma_start3A_32] : memref<4x8192x1024xf32, #tpu.memory_space<hbm>> -> memref<1x8x1024xf32, #tpu.memory_space<hbm>>
    %dma_start3A_34 = tpu.memref_squeeze %dma_start3A_33 : memref<1x8x1024xf32, #tpu.memory_space<hbm>> -> memref<8x1024xf32, #tpu.memory_space<hbm>>
    tpu.enqueue_dma source(%dma_start3A_34 : memref<8x1024xf32, #tpu.memory_space<hbm>>) target(%arg12 : memref<8x1024xf32, #tpu.memory_space<vmem>>) target_semaphore(%arg22 : memref<!tpu.dma_semaphore, #tpu.memory_space<semaphore_mem>>)
    %dma_start3A_35 = arith.constant 2 : i32
    %dma_start3A_36 = arith.constant 0 : i32
    %dma_start3A_37 = tpu.memref_slice %arg3[%dma_start3A_35, %mul3A_13, %dma_start3A_36] : memref<4x8192x1024xf32, #tpu.memory_space<hbm>> -> memref<1x8x1024xf32, #tpu.memory_space<hbm>>
    %dma_start3A_38 = tpu.memref_squeeze %dma_start3A_37 : memref<1x8x1024xf32, #tpu.memory_space<hbm>> -> memref<8x1024xf32, #tpu.memory_space<hbm>>
    %dma_start3A_39 = arith.constant 0 : i32
    %dma_start3A_40 = tpu.memref_slice %arg3[%dma_start3A_35, %mul3A_13, %dma_start3A_39] : memref<4x8192x1024xf32, #tpu.memory_space<hbm>> -> memref<1x8x1024xf32, #tpu.memory_space<hbm>>
    %dma_start3A_41 = tpu.memref_squeeze %dma_start3A_40 : memref<1x8x1024xf32, #tpu.memory_space<hbm>> -> memref<8x1024xf32, #tpu.memory_space<hbm>>
    tpu.enqueue_dma source(%dma_start3A_41 : memref<8x1024xf32, #tpu.memory_space<hbm>>) target(%arg13 : memref<8x1024xf32, #tpu.memory_space<vmem>>) target_semaphore(%arg23 : memref<!tpu.dma_semaphore, #tpu.memory_space<semaphore_mem>>)
    %dma_start3A_42 = arith.constant 3 : i32
    %dma_start3A_43 = arith.constant 0 : i32
    %dma_start3A_44 = tpu.memref_slice %arg3[%dma_start3A_42, %mul3A_13, %dma_start3A_43] : memref<4x8192x1024xf32, #tpu.memory_space<hbm>> -> memref<1x8x1024xf32, #tpu.memory_space<hbm>>
    %dma_start3A_45 = tpu.memref_squeeze %dma_start3A_44 : memref<1x8x1024xf32, #tpu.memory_space<hbm>> -> memref<8x1024xf32, #tpu.memory_space<hbm>>
    %dma_start3A_46 = arith.constant 0 : i32
    %dma_start3A_47 = tpu.memref_slice %arg3[%dma_start3A_42, %mul3A_13, %dma_start3A_46] : memref<4x8192x1024xf32, #tpu.memory_space<hbm>> -> memref<1x8x1024xf32, #tpu.memory_space<hbm>>
    %dma_start3A_48 = tpu.memref_squeeze %dma_start3A_47 : memref<1x8x1024xf32, #tpu.memory_space<hbm>> -> memref<8x1024xf32, #tpu.memory_space<hbm>>
    tpu.enqueue_dma source(%dma_start3A_48 : memref<8x1024xf32, #tpu.memory_space<hbm>>) target(%arg14 : memref<8x1024xf32, #tpu.memory_space<vmem>>) target_semaphore(%arg24 : memref<!tpu.dma_semaphore, #tpu.memory_space<semaphore_mem>>)
    %scan3A = arith.constant 0 : i32
    %scan3A_49 = arith.constant 0 : i32
    %scan3A_50 = arith.constant 32 : i32
    %scan3A_51 = arith.addi %scan3A_49, %scan3A_50 : i32
    %scan3A_52 = arith.constant 1 : i32
    scf.for %scan3A_83 = %scan3A_49 to %scan3A_51 step %scan3A_52  : i32 {
      %mul3A_84 = arith.constant 8 : i32
      %mul3A_85 = arith.muli %scan3A_83, %mul3A_84 : i32
      %add3A_86 = arith.addi %mul3A_13, %mul3A_85 : i32
      %add3A_87 = arith.constant 8 : i32
      %add3A_88 = arith.addi %add3A_86, %add3A_87 : i32
      %dma_wait3A_89 = arith.constant 0 : i32
      %dma_wait3A_90 = tpu.memref_slice %arg4[%add3A_86, %dma_wait3A_89] : memref<8192x1024xf32, #tpu.memory_space<hbm>> -> memref<8x1024xf32, #tpu.memory_space<hbm>>
      %dma_wait3A_91 = arith.constant 0 : i32
      %dma_wait3A_92 = tpu.memref_slice %arg4[%add3A_86, %dma_wait3A_91] : memref<8192x1024xf32, #tpu.memory_space<hbm>> -> memref<8x1024xf32, #tpu.memory_space<hbm>>
      tpu.wait_dma2 semaphore(%arg19 : memref<!tpu.dma_semaphore, #tpu.memory_space<semaphore_mem>>) src(%dma_wait3A_92 : memref<8x1024xf32, #tpu.memory_space<hbm>>) dst(%arg8 : memref<8x1024xf32, #tpu.memory_space<vmem>>)
      %dma_wait3A_93 = arith.constant 0 : i32
      %dma_wait3A_94 = tpu.memref_slice %arg5[%add3A_86, %dma_wait3A_93] : memref<8192x1024xf32, #tpu.memory_space<hbm>> -> memref<8x1024xf32, #tpu.memory_space<hbm>>
      %dma_wait3A_95 = arith.constant 0 : i32
      %dma_wait3A_96 = tpu.memref_slice %arg5[%add3A_86, %dma_wait3A_95] : memref<8192x1024xf32, #tpu.memory_space<hbm>> -> memref<8x1024xf32, #tpu.memory_space<hbm>>
      tpu.wait_dma2 semaphore(%arg20 : memref<!tpu.dma_semaphore, #tpu.memory_space<semaphore_mem>>) src(%dma_wait3A_96 : memref<8x1024xf32, #tpu.memory_space<hbm>>) dst(%arg9 : memref<8x1024xf32, #tpu.memory_space<vmem>>)
      %dma_wait3A_97 = arith.constant 0 : i32
      %dma_wait3A_98 = arith.constant 0 : i32
      %dma_wait3A_99 = tpu.memref_slice %arg3[%dma_wait3A_97, %add3A_86, %dma_wait3A_98] : memref<4x8192x1024xf32, #tpu.memory_space<hbm>> -> memref<1x8x1024xf32, #tpu.memory_space<hbm>>
      %dma_wait3A_100 = tpu.memref_squeeze %dma_wait3A_99 : memref<1x8x1024xf32, #tpu.memory_space<hbm>> -> memref<8x1024xf32, #tpu.memory_space<hbm>>
      %dma_wait3A_101 = arith.constant 0 : i32
      %dma_wait3A_102 = tpu.memref_slice %arg3[%dma_wait3A_97, %add3A_86, %dma_wait3A_101] : memref<4x8192x1024xf32, #tpu.memory_space<hbm>> -> memref<1x8x1024xf32, #tpu.memory_space<hbm>>
      %dma_wait3A_103 = tpu.memref_squeeze %dma_wait3A_102 : memref<1x8x1024xf32, #tpu.memory_space<hbm>> -> memref<8x1024xf32, #tpu.memory_space<hbm>>
      tpu.wait_dma2 semaphore(%arg21 : memref<!tpu.dma_semaphore, #tpu.memory_space<semaphore_mem>>) src(%dma_wait3A_103 : memref<8x1024xf32, #tpu.memory_space<hbm>>) dst(%arg11 : memref<8x1024xf32, #tpu.memory_space<vmem>>)
      %gt3A = arith.constant 0 : i32
      %gt3A_104 = arith.cmpi sgt, %scan3A_83, %gt3A : i32
      %convert_element_type3A = arith.extui %gt3A_104 : i1 to i32
      %cond3A = arith.constant 0 : i32
      %cond3A_105 = arith.cmpi ne, %convert_element_type3A, %cond3A : i32
      scf.if %cond3A_105 {
        %sub3A_205 = arith.constant 8 : i32
        %sub3A_206 = arith.subi %add3A_86, %sub3A_205 : i32
        %dma_wait3A_207 = arith.constant 0 : i32
        %dma_wait3A_208 = arith.constant 0 : i32
        %dma_wait3A_209 = tpu.memref_slice %arg6[%dma_wait3A_207, %sub3A_206, %dma_wait3A_208] : memref<4x8192x1024xf32, #tpu.memory_space<hbm>> -> memref<1x8x1024xf32, #tpu.memory_space<hbm>>
        %dma_wait3A_210 = tpu.memref_squeeze %dma_wait3A_209 : memref<1x8x1024xf32, #tpu.memory_space<hbm>> -> memref<8x1024xf32, #tpu.memory_space<hbm>>
        %dma_wait3A_211 = arith.constant 0 : i32
        %dma_wait3A_212 = tpu.memref_slice %arg6[%dma_wait3A_207, %sub3A_206, %dma_wait3A_211] : memref<4x8192x1024xf32, #tpu.memory_space<hbm>> -> memref<1x8x1024xf32, #tpu.memory_space<hbm>>
        %dma_wait3A_213 = tpu.memref_squeeze %dma_wait3A_212 : memref<1x8x1024xf32, #tpu.memory_space<hbm>> -> memref<8x1024xf32, #tpu.memory_space<hbm>>
        tpu.wait_dma2 semaphore(%arg25 : memref<!tpu.dma_semaphore, #tpu.memory_space<semaphore_mem>>) src(%arg15 : memref<8x1024xf32, #tpu.memory_space<vmem>>) dst(%dma_wait3A_213 : memref<8x1024xf32, #tpu.memory_space<hbm>>)
      } else {
      }
      %parallel_loop3A = arith.constant 0 : i32
      %parallel_loop3A_106 = arith.constant 512 : i32
      %parallel_loop3A_107 = arith.constant 1 : i32
      scf.for %parallel_loop3A_205 = %parallel_loop3A to %parallel_loop3A_106 step %parallel_loop3A_107  : i32 {
        %parallel_loop3A_206 = arith.constant 6 : i32
        %parallel_loop3A_207 = arith.shrsi %parallel_loop3A_205, %parallel_loop3A_206 : i32
        %parallel_loop3A_208 = arith.constant 63 : i32
        %parallel_loop3A_209 = arith.andi %parallel_loop3A_205, %parallel_loop3A_208 : i32
        %parallel_loop3A_210 = arith.constant 16 : i32
        %parallel_loop3A_211 = arith.muli %parallel_loop3A_209, %parallel_loop3A_210 : i32
        %parallel_loop3A_212 = arith.index_cast %parallel_loop3A_207 : i32 to index
        %parallel_loop3A_213 = arith.index_cast %parallel_loop3A_211 : i32 to index
        %parallel_loop3A_214 = tpu.vector_load %arg8[%parallel_loop3A_212, %parallel_loop3A_213] {strides = array<i32>} : memref<8x1024xf32, #tpu.memory_space<vmem>>, vector<1x16xf32>,
        %parallel_loop3A_215 = vector.shape_cast %parallel_loop3A_214 : vector<1x16xf32> to vector<16xf32>
        %parallel_loop3A_216 = arith.mulf %div3A_9, %parallel_loop3A_215 : vector<16xf32>
        %parallel_loop3A_217 = arith.index_cast %parallel_loop3A_207 : i32 to index
        %parallel_loop3A_218 = arith.index_cast %parallel_loop3A_211 : i32 to index
        %parallel_loop3A_219 = tpu.vector_load %arg9[%parallel_loop3A_217, %parallel_loop3A_218] {strides = array<i32>} : memref<8x1024xf32, #tpu.memory_space<vmem>>, vector<1x16xf32>,
        %parallel_loop3A_220 = vector.shape_cast %parallel_loop3A_219 : vector<1x16xf32> to vector<16xf32>
        %parallel_loop3A_221 = arith.mulf %sub3A_11, %parallel_loop3A_220 : vector<16xf32>
        %parallel_loop3A_222 = arith.addf %parallel_loop3A_216, %parallel_loop3A_221 : vector<16xf32>
        %parallel_loop3A_223 = arith.index_cast %parallel_loop3A_207 : i32 to index
        %parallel_loop3A_224 = arith.index_cast %parallel_loop3A_211 : i32 to index
        %parallel_loop3A_225 = tpu.vector_load %arg10[%parallel_loop3A_223, %parallel_loop3A_224] {strides = array<i32>} : memref<8x1024xf32, #tpu.memory_space<vmem>>, vector<1x16xf32>,
        %parallel_loop3A_226 = vector.shape_cast %parallel_loop3A_225 : vector<1x16xf32> to vector<16xf32>
        %parallel_loop3A_227 = vector.shape_cast %parallel_loop3A_222 : vector<16xf32> to vector<1x16xf32>
        tpu.vector_store %arg10[%parallel_loop3A_223, %parallel_loop3A_224], %parallel_loop3A_227 {strides = array<i32>} : memref<8x1024xf32, #tpu.memory_space<vmem>>, vector<1x16xf32>,
        %parallel_loop3A_228 = arith.index_cast %parallel_loop3A_207 : i32 to index
        %parallel_loop3A_229 = arith.index_cast %parallel_loop3A_211 : i32 to index
        %parallel_loop3A_230 = tpu.vector_load %arg11[%parallel_loop3A_228, %parallel_loop3A_229] {strides = array<i32>} : memref<8x1024xf32, #tpu.memory_space<vmem>>, vector<1x16xf32>,
        %parallel_loop3A_231 = vector.shape_cast %parallel_loop3A_230 : vector<1x16xf32> to vector<16xf32>
        %parallel_loop3A_232 = arith.addf %parallel_loop3A_231, %parallel_loop3A_222 : vector<16xf32>
        %parallel_loop3A_233 = arith.index_cast %parallel_loop3A_207 : i32 to index
        %parallel_loop3A_234 = arith.index_cast %parallel_loop3A_211 : i32 to index
        %parallel_loop3A_235 = tpu.vector_load %arg15[%parallel_loop3A_233, %parallel_loop3A_234] {strides = array<i32>} : memref<8x1024xf32, #tpu.memory_space<vmem>>, vector<1x16xf32>,
        %parallel_loop3A_236 = vector.shape_cast %parallel_loop3A_235 : vector<1x16xf32> to vector<16xf32>
        %parallel_loop3A_237 = vector.shape_cast %parallel_loop3A_232 : vector<16xf32> to vector<1x16xf32>
        tpu.vector_store %arg15[%parallel_loop3A_233, %parallel_loop3A_234], %parallel_loop3A_237 {strides = array<i32>} : memref<8x1024xf32, #tpu.memory_space<vmem>>, vector<1x16xf32>,
      } {sc.loop_unroll_factor = 8 : i64, sc.parallel_access}
      %lt3A = arith.constant 31 : i32
      %lt3A_108 = arith.cmpi slt, %scan3A_83, %lt3A : i32
      %convert_element_type3A_109 = arith.extui %lt3A_108 : i1 to i32
      %cond3A_110 = arith.constant 0 : i32
      %cond3A_111 = arith.cmpi ne, %convert_element_type3A_109, %cond3A_110 : i32
      scf.if %cond3A_111 {
        %dma_start3A_205 = arith.constant 0 : i32
        %dma_start3A_206 = tpu.memref_slice %arg4[%add3A_88, %dma_start3A_205] : memref<8192x1024xf32, #tpu.memory_space<hbm>> -> memref<8x1024xf32, #tpu.memory_space<hbm>>
        %dma_start3A_207 = arith.constant 0 : i32
        %dma_start3A_208 = tpu.memref_slice %arg4[%add3A_88, %dma_start3A_207] : memref<8192x1024xf32, #tpu.memory_space<hbm>> -> memref<8x1024xf32, #tpu.memory_space<hbm>>
        tpu.enqueue_dma source(%dma_start3A_208 : memref<8x1024xf32, #tpu.memory_space<hbm>>) target(%arg8 : memref<8x1024xf32, #tpu.memory_space<vmem>>) target_semaphore(%arg19 : memref<!tpu.dma_semaphore, #tpu.memory_space<semaphore_mem>>)
        %dma_start3A_209 = arith.constant 0 : i32
        %dma_start3A_210 = tpu.memref_slice %arg5[%add3A_88, %dma_start3A_209] : memref<8192x1024xf32, #tpu.memory_space<hbm>> -> memref<8x1024xf32, #tpu.memory_space<hbm>>
        %dma_start3A_211 = arith.constant 0 : i32
        %dma_start3A_212 = tpu.memref_slice %arg5[%add3A_88, %dma_start3A_211] : memref<8192x1024xf32, #tpu.memory_space<hbm>> -> memref<8x1024xf32, #tpu.memory_space<hbm>>
        tpu.enqueue_dma source(%dma_start3A_212 : memref<8x1024xf32, #tpu.memory_space<hbm>>) target(%arg9 : memref<8x1024xf32, #tpu.memory_space<vmem>>) target_semaphore(%arg20 : memref<!tpu.dma_semaphore, #tpu.memory_space<semaphore_mem>>)
      } else {
      }
      %dma_start3A_112 = arith.constant 0 : i32
      %dma_start3A_113 = arith.constant 0 : i32
      %dma_start3A_114 = tpu.memref_slice %arg6[%dma_start3A_112, %add3A_86, %dma_start3A_113] : memref<4x8192x1024xf32, #tpu.memory_space<hbm>> -> memref<1x8x1024xf32, #tpu.memory_space<hbm>>
      %dma_start3A_115 = tpu.memref_squeeze %dma_start3A_114 : memref<1x8x1024xf32, #tpu.memory_space<hbm>> -> memref<8x1024xf32, #tpu.memory_space<hbm>>
      %dma_start3A_116 = arith.constant 0 : i32
      %dma_start3A_117 = tpu.memref_slice %arg6[%dma_start3A_112, %add3A_86, %dma_start3A_116] : memref<4x8192x1024xf32, #tpu.memory_space<hbm>> -> memref<1x8x1024xf32, #tpu.memory_space<hbm>>
      %dma_start3A_118 = tpu.memref_squeeze %dma_start3A_117 : memref<1x8x1024xf32, #tpu.memory_space<hbm>> -> memref<8x1024xf32, #tpu.memory_space<hbm>>
      tpu.enqueue_dma source(%arg15 : memref<8x1024xf32, #tpu.memory_space<vmem>>) target(%dma_start3A_118 : memref<8x1024xf32, #tpu.memory_space<hbm>>) target_semaphore(%arg25 : memref<!tpu.dma_semaphore, #tpu.memory_space<semaphore_mem>>)
      %lt3A_119 = arith.constant 31 : i32
      %lt3A_120 = arith.cmpi slt, %scan3A_83, %lt3A_119 : i32
      %convert_element_type3A_121 = arith.extui %lt3A_120 : i1 to i32
      %cond3A_122 = arith.constant 0 : i32
      %cond3A_123 = arith.cmpi ne, %convert_element_type3A_121, %cond3A_122 : i32
      scf.if %cond3A_123 {
        %dma_start3A_205 = arith.constant 0 : i32
        %dma_start3A_206 = arith.constant 0 : i32
        %dma_start3A_207 = tpu.memref_slice %arg3[%dma_start3A_205, %add3A_88, %dma_start3A_206] : memref<4x8192x1024xf32, #tpu.memory_space<hbm>> -> memref<1x8x1024xf32, #tpu.memory_space<hbm>>
        %dma_start3A_208 = tpu.memref_squeeze %dma_start3A_207 : memref<1x8x1024xf32, #tpu.memory_space<hbm>> -> memref<8x1024xf32, #tpu.memory_space<hbm>>
        %dma_start3A_209 = arith.constant 0 : i32
        %dma_start3A_210 = tpu.memref_slice %arg3[%dma_start3A_205, %add3A_88, %dma_start3A_209] : memref<4x8192x1024xf32, #tpu.memory_space<hbm>> -> memref<1x8x1024xf32, #tpu.memory_space<hbm>>
        %dma_start3A_211 = tpu.memref_squeeze %dma_start3A_210 : memref<1x8x1024xf32, #tpu.memory_space<hbm>> -> memref<8x1024xf32, #tpu.memory_space<hbm>>
        tpu.enqueue_dma source(%dma_start3A_211 : memref<8x1024xf32, #tpu.memory_space<hbm>>) target(%arg11 : memref<8x1024xf32, #tpu.memory_space<vmem>>) target_semaphore(%arg21 : memref<!tpu.dma_semaphore, #tpu.memory_space<semaphore_mem>>)
      } else {
      }
      %dma_wait3A_124 = arith.constant 1 : i32
      %dma_wait3A_125 = arith.constant 0 : i32
      %dma_wait3A_126 = tpu.memref_slice %arg3[%dma_wait3A_124, %add3A_86, %dma_wait3A_125] : memref<4x8192x1024xf32, #tpu.memory_space<hbm>> -> memref<1x8x1024xf32, #tpu.memory_space<hbm>>
      %dma_wait3A_127 = tpu.memref_squeeze %dma_wait3A_126 : memref<1x8x1024xf32, #tpu.memory_space<hbm>> -> memref<8x1024xf32, #tpu.memory_space<hbm>>
      %dma_wait3A_128 = arith.constant 0 : i32
      %dma_wait3A_129 = tpu.memref_slice %arg3[%dma_wait3A_124, %add3A_86, %dma_wait3A_128] : memref<4x8192x1024xf32, #tpu.memory_space<hbm>> -> memref<1x8x1024xf32, #tpu.memory_space<hbm>>
      %dma_wait3A_130 = tpu.memref_squeeze %dma_wait3A_129 : memref<1x8x1024xf32, #tpu.memory_space<hbm>> -> memref<8x1024xf32, #tpu.memory_space<hbm>>
      tpu.wait_dma2 semaphore(%arg22 : memref<!tpu.dma_semaphore, #tpu.memory_space<semaphore_mem>>) src(%dma_wait3A_130 : memref<8x1024xf32, #tpu.memory_space<hbm>>) dst(%arg12 : memref<8x1024xf32, #tpu.memory_space<vmem>>)
      %gt3A_131 = arith.constant 0 : i32
      %gt3A_132 = arith.cmpi sgt, %scan3A_83, %gt3A_131 : i32
      %convert_element_type3A_133 = arith.extui %gt3A_132 : i1 to i32
      %cond3A_134 = arith.constant 0 : i32
      %cond3A_135 = arith.cmpi ne, %convert_element_type3A_133, %cond3A_134 : i32
      scf.if %cond3A_135 {
        %sub3A_205 = arith.constant 8 : i32
        %sub3A_206 = arith.subi %add3A_86, %sub3A_205 : i32
        %dma_wait3A_207 = arith.constant 1 : i32
        %dma_wait3A_208 = arith.constant 0 : i32
        %dma_wait3A_209 = tpu.memref_slice %arg6[%dma_wait3A_207, %sub3A_206, %dma_wait3A_208] : memref<4x8192x1024xf32, #tpu.memory_space<hbm>> -> memref<1x8x1024xf32, #tpu.memory_space<hbm>>
        %dma_wait3A_210 = tpu.memref_squeeze %dma_wait3A_209 : memref<1x8x1024xf32, #tpu.memory_space<hbm>> -> memref<8x1024xf32, #tpu.memory_space<hbm>>
        %dma_wait3A_211 = arith.constant 0 : i32
        %dma_wait3A_212 = tpu.memref_slice %arg6[%dma_wait3A_207, %sub3A_206, %dma_wait3A_211] : memref<4x8192x1024xf32, #tpu.memory_space<hbm>> -> memref<1x8x1024xf32, #tpu.memory_space<hbm>>
        %dma_wait3A_213 = tpu.memref_squeeze %dma_wait3A_212 : memref<1x8x1024xf32, #tpu.memory_space<hbm>> -> memref<8x1024xf32, #tpu.memory_space<hbm>>
        tpu.wait_dma2 semaphore(%arg26 : memref<!tpu.dma_semaphore, #tpu.memory_space<semaphore_mem>>) src(%arg16 : memref<8x1024xf32, #tpu.memory_space<vmem>>) dst(%dma_wait3A_213 : memref<8x1024xf32, #tpu.memory_space<hbm>>)
      } else {
      }
      %parallel_loop3A_136 = arith.constant 0 : i32
      %parallel_loop3A_137 = arith.constant 512 : i32
      %parallel_loop3A_138 = arith.constant 1 : i32
      scf.for %parallel_loop3A_205 = %parallel_loop3A_136 to %parallel_loop3A_137 step %parallel_loop3A_138  : i32 {
        %parallel_loop3A_206 = arith.constant 6 : i32
        %parallel_loop3A_207 = arith.shrsi %parallel_loop3A_205, %parallel_loop3A_206 : i32
        %parallel_loop3A_208 = arith.constant 63 : i32
        %parallel_loop3A_209 = arith.andi %parallel_loop3A_205, %parallel_loop3A_208 : i32
        %parallel_loop3A_210 = arith.constant 16 : i32
        %parallel_loop3A_211 = arith.muli %parallel_loop3A_209, %parallel_loop3A_210 : i32
        %parallel_loop3A_212 = arith.index_cast %parallel_loop3A_207 : i32 to index
        %parallel_loop3A_213 = arith.index_cast %parallel_loop3A_211 : i32 to index
        %parallel_loop3A_214 = tpu.vector_load %arg12[%parallel_loop3A_212, %parallel_loop3A_213] {strides = array<i32>} : memref<8x1024xf32, #tpu.memory_space<vmem>>, vector<1x16xf32>,
        %parallel_loop3A_215 = vector.shape_cast %parallel_loop3A_214 : vector<1x16xf32> to vector<16xf32>
        %parallel_loop3A_216 = arith.index_cast %parallel_loop3A_207 : i32 to index
        %parallel_loop3A_217 = arith.index_cast %parallel_loop3A_211 : i32 to index
        %parallel_loop3A_218 = tpu.vector_load %arg10[%parallel_loop3A_216, %parallel_loop3A_217] {strides = array<i32>} : memref<8x1024xf32, #tpu.memory_space<vmem>>, vector<1x16xf32>,
        %parallel_loop3A_219 = vector.shape_cast %parallel_loop3A_218 : vector<1x16xf32> to vector<16xf32>
        %parallel_loop3A_220 = arith.addf %parallel_loop3A_215, %parallel_loop3A_219 : vector<16xf32>
        %parallel_loop3A_221 = arith.index_cast %parallel_loop3A_207 : i32 to index
        %parallel_loop3A_222 = arith.index_cast %parallel_loop3A_211 : i32 to index
        %parallel_loop3A_223 = tpu.vector_load %arg16[%parallel_loop3A_221, %parallel_loop3A_222] {strides = array<i32>} : memref<8x1024xf32, #tpu.memory_space<vmem>>, vector<1x16xf32>,
        %parallel_loop3A_224 = vector.shape_cast %parallel_loop3A_223 : vector<1x16xf32> to vector<16xf32>
        %parallel_loop3A_225 = vector.shape_cast %parallel_loop3A_220 : vector<16xf32> to vector<1x16xf32>
        tpu.vector_store %arg16[%parallel_loop3A_221, %parallel_loop3A_222], %parallel_loop3A_225 {strides = array<i32>} : memref<8x1024xf32, #tpu.memory_space<vmem>>, vector<1x16xf32>,
      } {sc.loop_unroll_factor = 8 : i64, sc.parallel_access}
      %dma_start3A_139 = arith.constant 1 : i32
      %dma_start3A_140 = arith.constant 0 : i32
      %dma_start3A_141 = tpu.memref_slice %arg6[%dma_start3A_139, %add3A_86, %dma_start3A_140] : memref<4x8192x1024xf32, #tpu.memory_space<hbm>> -> memref<1x8x1024xf32, #tpu.memory_space<hbm>>
      %dma_start3A_142 = tpu.memref_squeeze %dma_start3A_141 : memref<1x8x1024xf32, #tpu.memory_space<hbm>> -> memref<8x1024xf32, #tpu.memory_space<hbm>>
      %dma_start3A_143 = arith.constant 0 : i32
      %dma_start3A_144 = tpu.memref_slice %arg6[%dma_start3A_139, %add3A_86, %dma_start3A_143] : memref<4x8192x1024xf32, #tpu.memory_space<hbm>> -> memref<1x8x1024xf32, #tpu.memory_space<hbm>>
      %dma_start3A_145 = tpu.memref_squeeze %dma_start3A_144 : memref<1x8x1024xf32, #tpu.memory_space<hbm>> -> memref<8x1024xf32, #tpu.memory_space<hbm>>
      tpu.enqueue_dma source(%arg16 : memref<8x1024xf32, #tpu.memory_space<vmem>>) target(%dma_start3A_145 : memref<8x1024xf32, #tpu.memory_space<hbm>>) target_semaphore(%arg26 : memref<!tpu.dma_semaphore, #tpu.memory_space<semaphore_mem>>)
      %lt3A_146 = arith.constant 31 : i32
      %lt3A_147 = arith.cmpi slt, %scan3A_83, %lt3A_146 : i32
      %convert_element_type3A_148 = arith.extui %lt3A_147 : i1 to i32
      %cond3A_149 = arith.constant 0 : i32
      %cond3A_150 = arith.cmpi ne, %convert_element_type3A_148, %cond3A_149 : i32
      scf.if %cond3A_150 {
        %dma_start3A_205 = arith.constant 1 : i32
        %dma_start3A_206 = arith.constant 0 : i32
        %dma_start3A_207 = tpu.memref_slice %arg3[%dma_start3A_205, %add3A_88, %dma_start3A_206] : memref<4x8192x1024xf32, #tpu.memory_space<hbm>> -> memref<1x8x1024xf32, #tpu.memory_space<hbm>>
        %dma_start3A_208 = tpu.memref_squeeze %dma_start3A_207 : memref<1x8x1024xf32, #tpu.memory_space<hbm>> -> memref<8x1024xf32, #tpu.memory_space<hbm>>
        %dma_start3A_209 = arith.constant 0 : i32
        %dma_start3A_210 = tpu.memref_slice %arg3[%dma_start3A_205, %add3A_88, %dma_start3A_209] : memref<4x8192x1024xf32, #tpu.memory_space<hbm>> -> memref<1x8x1024xf32, #tpu.memory_space<hbm>>
        %dma_start3A_211 = tpu.memref_squeeze %dma_start3A_210 : memref<1x8x1024xf32, #tpu.memory_space<hbm>> -> memref<8x1024xf32, #tpu.memory_space<hbm>>
        tpu.enqueue_dma source(%dma_start3A_211 : memref<8x1024xf32, #tpu.memory_space<hbm>>) target(%arg12 : memref<8x1024xf32, #tpu.memory_space<vmem>>) target_semaphore(%arg22 : memref<!tpu.dma_semaphore, #tpu.memory_space<semaphore_mem>>)
      } else {
      }
      %dma_wait3A_151 = arith.constant 2 : i32
      %dma_wait3A_152 = arith.constant 0 : i32
      %dma_wait3A_153 = tpu.memref_slice %arg3[%dma_wait3A_151, %add3A_86, %dma_wait3A_152] : memref<4x8192x1024xf32, #tpu.memory_space<hbm>> -> memref<1x8x1024xf32, #tpu.memory_space<hbm>>
      %dma_wait3A_154 = tpu.memref_squeeze %dma_wait3A_153 : memref<1x8x1024xf32, #tpu.memory_space<hbm>> -> memref<8x1024xf32, #tpu.memory_space<hbm>>
      %dma_wait3A_155 = arith.constant 0 : i32
      %dma_wait3A_156 = tpu.memref_slice %arg3[%dma_wait3A_151, %add3A_86, %dma_wait3A_155] : memref<4x8192x1024xf32, #tpu.memory_space<hbm>> -> memref<1x8x1024xf32, #tpu.memory_space<hbm>>
      %dma_wait3A_157 = tpu.memref_squeeze %dma_wait3A_156 : memref<1x8x1024xf32, #tpu.memory_space<hbm>> -> memref<8x1024xf32, #tpu.memory_space<hbm>>
      tpu.wait_dma2 semaphore(%arg23 : memref<!tpu.dma_semaphore, #tpu.memory_space<semaphore_mem>>) src(%dma_wait3A_157 : memref<8x1024xf32, #tpu.memory_space<hbm>>) dst(%arg13 : memref<8x1024xf32, #tpu.memory_space<vmem>>)
      %gt3A_158 = arith.constant 0 : i32
      %gt3A_159 = arith.cmpi sgt, %scan3A_83, %gt3A_158 : i32
      %convert_element_type3A_160 = arith.extui %gt3A_159 : i1 to i32
      %cond3A_161 = arith.constant 0 : i32
      %cond3A_162 = arith.cmpi ne, %convert_element_type3A_160, %cond3A_161 : i32
      scf.if %cond3A_162 {
        %sub3A_205 = arith.constant 8 : i32
        %sub3A_206 = arith.subi %add3A_86, %sub3A_205 : i32
        %dma_wait3A_207 = arith.constant 2 : i32
        %dma_wait3A_208 = arith.constant 0 : i32
        %dma_wait3A_209 = tpu.memref_slice %arg6[%dma_wait3A_207, %sub3A_206, %dma_wait3A_208] : memref<4x8192x1024xf32, #tpu.memory_space<hbm>> -> memref<1x8x1024xf32, #tpu.memory_space<hbm>>
        %dma_wait3A_210 = tpu.memref_squeeze %dma_wait3A_209 : memref<1x8x1024xf32, #tpu.memory_space<hbm>> -> memref<8x1024xf32, #tpu.memory_space<hbm>>
        %dma_wait3A_211 = arith.constant 0 : i32
        %dma_wait3A_212 = tpu.memref_slice %arg6[%dma_wait3A_207, %sub3A_206, %dma_wait3A_211] : memref<4x8192x1024xf32, #tpu.memory_space<hbm>> -> memref<1x8x1024xf32, #tpu.memory_space<hbm>>
        %dma_wait3A_213 = tpu.memref_squeeze %dma_wait3A_212 : memref<1x8x1024xf32, #tpu.memory_space<hbm>> -> memref<8x1024xf32, #tpu.memory_space<hbm>>
        tpu.wait_dma2 semaphore(%arg27 : memref<!tpu.dma_semaphore, #tpu.memory_space<semaphore_mem>>) src(%arg17 : memref<8x1024xf32, #tpu.memory_space<vmem>>) dst(%dma_wait3A_213 : memref<8x1024xf32, #tpu.memory_space<hbm>>)
      } else {
      }
      %parallel_loop3A_163 = arith.constant 0 : i32
      %parallel_loop3A_164 = arith.constant 512 : i32
      %parallel_loop3A_165 = arith.constant 1 : i32
      scf.for %parallel_loop3A_205 = %parallel_loop3A_163 to %parallel_loop3A_164 step %parallel_loop3A_165  : i32 {
        %parallel_loop3A_206 = arith.constant 6 : i32
        %parallel_loop3A_207 = arith.shrsi %parallel_loop3A_205, %parallel_loop3A_206 : i32
        %parallel_loop3A_208 = arith.constant 63 : i32
        %parallel_loop3A_209 = arith.andi %parallel_loop3A_205, %parallel_loop3A_208 : i32
        %parallel_loop3A_210 = arith.constant 16 : i32
        %parallel_loop3A_211 = arith.muli %parallel_loop3A_209, %parallel_loop3A_210 : i32
        %parallel_loop3A_212 = arith.index_cast %parallel_loop3A_207 : i32 to index
        %parallel_loop3A_213 = arith.index_cast %parallel_loop3A_211 : i32 to index
        %parallel_loop3A_214 = tpu.vector_load %arg13[%parallel_loop3A_212, %parallel_loop3A_213] {strides = array<i32>} : memref<8x1024xf32, #tpu.memory_space<vmem>>, vector<1x16xf32>,
        %parallel_loop3A_215 = vector.shape_cast %parallel_loop3A_214 : vector<1x16xf32> to vector<16xf32>
        %parallel_loop3A_216 = arith.index_cast %parallel_loop3A_207 : i32 to index
        %parallel_loop3A_217 = arith.index_cast %parallel_loop3A_211 : i32 to index
        %parallel_loop3A_218 = tpu.vector_load %arg10[%parallel_loop3A_216, %parallel_loop3A_217] {strides = array<i32>} : memref<8x1024xf32, #tpu.memory_space<vmem>>, vector<1x16xf32>,
        %parallel_loop3A_219 = vector.shape_cast %parallel_loop3A_218 : vector<1x16xf32> to vector<16xf32>
        %parallel_loop3A_220 = arith.addf %parallel_loop3A_215, %parallel_loop3A_219 : vector<16xf32>
        %parallel_loop3A_221 = arith.index_cast %parallel_loop3A_207 : i32 to index
        %parallel_loop3A_222 = arith.index_cast %parallel_loop3A_211 : i32 to index
        %parallel_loop3A_223 = tpu.vector_load %arg17[%parallel_loop3A_221, %parallel_loop3A_222] {strides = array<i32>} : memref<8x1024xf32, #tpu.memory_space<vmem>>, vector<1x16xf32>,
        %parallel_loop3A_224 = vector.shape_cast %parallel_loop3A_223 : vector<1x16xf32> to vector<16xf32>
        %parallel_loop3A_225 = vector.shape_cast %parallel_loop3A_220 : vector<16xf32> to vector<1x16xf32>
        tpu.vector_store %arg17[%parallel_loop3A_221, %parallel_loop3A_222], %parallel_loop3A_225 {strides = array<i32>} : memref<8x1024xf32, #tpu.memory_space<vmem>>, vector<1x16xf32>,
      } {sc.loop_unroll_factor = 8 : i64, sc.parallel_access}
      %dma_start3A_166 = arith.constant 2 : i32
      %dma_start3A_167 = arith.constant 0 : i32
      %dma_start3A_168 = tpu.memref_slice %arg6[%dma_start3A_166, %add3A_86, %dma_start3A_167] : memref<4x8192x1024xf32, #tpu.memory_space<hbm>> -> memref<1x8x1024xf32, #tpu.memory_space<hbm>>
      %dma_start3A_169 = tpu.memref_squeeze %dma_start3A_168 : memref<1x8x1024xf32, #tpu.memory_space<hbm>> -> memref<8x1024xf32, #tpu.memory_space<hbm>>
      %dma_start3A_170 = arith.constant 0 : i32
      %dma_start3A_171 = tpu.memref_slice %arg6[%dma_start3A_166, %add3A_86, %dma_start3A_170] : memref<4x8192x1024xf32, #tpu.memory_space<hbm>> -> memref<1x8x1024xf32, #tpu.memory_space<hbm>>
      %dma_start3A_172 = tpu.memref_squeeze %dma_start3A_171 : memref<1x8x1024xf32, #tpu.memory_space<hbm>> -> memref<8x1024xf32, #tpu.memory_space<hbm>>
      tpu.enqueue_dma source(%arg17 : memref<8x1024xf32, #tpu.memory_space<vmem>>) target(%dma_start3A_172 : memref<8x1024xf32, #tpu.memory_space<hbm>>) target_semaphore(%arg27 : memref<!tpu.dma_semaphore, #tpu.memory_space<semaphore_mem>>)
      %lt3A_173 = arith.constant 31 : i32
      %lt3A_174 = arith.cmpi slt, %scan3A_83, %lt3A_173 : i32
      %convert_element_type3A_175 = arith.extui %lt3A_174 : i1 to i32
      %cond3A_176 = arith.constant 0 : i32
      %cond3A_177 = arith.cmpi ne, %convert_element_type3A_175, %cond3A_176 : i32
      scf.if %cond3A_177 {
        %dma_start3A_205 = arith.constant 2 : i32
        %dma_start3A_206 = arith.constant 0 : i32
        %dma_start3A_207 = tpu.memref_slice %arg3[%dma_start3A_205, %add3A_88, %dma_start3A_206] : memref<4x8192x1024xf32, #tpu.memory_space<hbm>> -> memref<1x8x1024xf32, #tpu.memory_space<hbm>>
        %dma_start3A_208 = tpu.memref_squeeze %dma_start3A_207 : memref<1x8x1024xf32, #tpu.memory_space<hbm>> -> memref<8x1024xf32, #tpu.memory_space<hbm>>
        %dma_start3A_209 = arith.constant 0 : i32
        %dma_start3A_210 = tpu.memref_slice %arg3[%dma_start3A_205, %add3A_88, %dma_start3A_209] : memref<4x8192x1024xf32, #tpu.memory_space<hbm>> -> memref<1x8x1024xf32, #tpu.memory_space<hbm>>
        %dma_start3A_211 = tpu.memref_squeeze %dma_start3A_210 : memref<1x8x1024xf32, #tpu.memory_space<hbm>> -> memref<8x1024xf32, #tpu.memory_space<hbm>>
        tpu.enqueue_dma source(%dma_start3A_211 : memref<8x1024xf32, #tpu.memory_space<hbm>>) target(%arg13 : memref<8x1024xf32, #tpu.memory_space<vmem>>) target_semaphore(%arg23 : memref<!tpu.dma_semaphore, #tpu.memory_space<semaphore_mem>>)
      } else {
      }
      %dma_wait3A_178 = arith.constant 3 : i32
      %dma_wait3A_179 = arith.constant 0 : i32
      %dma_wait3A_180 = tpu.memref_slice %arg3[%dma_wait3A_178, %add3A_86, %dma_wait3A_179] : memref<4x8192x1024xf32, #tpu.memory_space<hbm>> -> memref<1x8x1024xf32, #tpu.memory_space<hbm>>
      %dma_wait3A_181 = tpu.memref_squeeze %dma_wait3A_180 : memref<1x8x1024xf32, #tpu.memory_space<hbm>> -> memref<8x1024xf32, #tpu.memory_space<hbm>>
      %dma_wait3A_182 = arith.constant 0 : i32
      %dma_wait3A_183 = tpu.memref_slice %arg3[%dma_wait3A_178, %add3A_86, %dma_wait3A_182] : memref<4x8192x1024xf32, #tpu.memory_space<hbm>> -> memref<1x8x1024xf32, #tpu.memory_space<hbm>>
      %dma_wait3A_184 = tpu.memref_squeeze %dma_wait3A_183 : memref<1x8x1024xf32, #tpu.memory_space<hbm>> -> memref<8x1024xf32, #tpu.memory_space<hbm>>
      tpu.wait_dma2 semaphore(%arg24 : memref<!tpu.dma_semaphore, #tpu.memory_space<semaphore_mem>>) src(%dma_wait3A_184 : memref<8x1024xf32, #tpu.memory_space<hbm>>) dst(%arg14 : memref<8x1024xf32, #tpu.memory_space<vmem>>)
      %gt3A_185 = arith.constant 0 : i32
      %gt3A_186 = arith.cmpi sgt, %scan3A_83, %gt3A_185 : i32
      %convert_element_type3A_187 = arith.extui %gt3A_186 : i1 to i32
      %cond3A_188 = arith.constant 0 : i32
      %cond3A_189 = arith.cmpi ne, %convert_element_type3A_187, %cond3A_188 : i32
      scf.if %cond3A_189 {
        %sub3A_205 = arith.constant 8 : i32
        %sub3A_206 = arith.subi %add3A_86, %sub3A_205 : i32
        %dma_wait3A_207 = arith.constant 3 : i32
        %dma_wait3A_208 = arith.constant 0 : i32
        %dma_wait3A_209 = tpu.memref_slice %arg6[%dma_wait3A_207, %sub3A_206, %dma_wait3A_208] : memref<4x8192x1024xf32, #tpu.memory_space<hbm>> -> memref<1x8x1024xf32, #tpu.memory_space<hbm>>
        %dma_wait3A_210 = tpu.memref_squeeze %dma_wait3A_209 : memref<1x8x1024xf32, #tpu.memory_space<hbm>> -> memref<8x1024xf32, #tpu.memory_space<hbm>>
        %dma_wait3A_211 = arith.constant 0 : i32
        %dma_wait3A_212 = tpu.memref_slice %arg6[%dma_wait3A_207, %sub3A_206, %dma_wait3A_211] : memref<4x8192x1024xf32, #tpu.memory_space<hbm>> -> memref<1x8x1024xf32, #tpu.memory_space<hbm>>
        %dma_wait3A_213 = tpu.memref_squeeze %dma_wait3A_212 : memref<1x8x1024xf32, #tpu.memory_space<hbm>> -> memref<8x1024xf32, #tpu.memory_space<hbm>>
        tpu.wait_dma2 semaphore(%arg28 : memref<!tpu.dma_semaphore, #tpu.memory_space<semaphore_mem>>) src(%arg18 : memref<8x1024xf32, #tpu.memory_space<vmem>>) dst(%dma_wait3A_213 : memref<8x1024xf32, #tpu.memory_space<hbm>>)
      } else {
      }
      %parallel_loop3A_190 = arith.constant 0 : i32
      %parallel_loop3A_191 = arith.constant 512 : i32
      %parallel_loop3A_192 = arith.constant 1 : i32
      scf.for %parallel_loop3A_205 = %parallel_loop3A_190 to %parallel_loop3A_191 step %parallel_loop3A_192  : i32 {
        %parallel_loop3A_206 = arith.constant 6 : i32
        %parallel_loop3A_207 = arith.shrsi %parallel_loop3A_205, %parallel_loop3A_206 : i32
        %parallel_loop3A_208 = arith.constant 63 : i32
        %parallel_loop3A_209 = arith.andi %parallel_loop3A_205, %parallel_loop3A_208 : i32
        %parallel_loop3A_210 = arith.constant 16 : i32
        %parallel_loop3A_211 = arith.muli %parallel_loop3A_209, %parallel_loop3A_210 : i32
        %parallel_loop3A_212 = arith.index_cast %parallel_loop3A_207 : i32 to index
        %parallel_loop3A_213 = arith.index_cast %parallel_loop3A_211 : i32 to index
        %parallel_loop3A_214 = tpu.vector_load %arg14[%parallel_loop3A_212, %parallel_loop3A_213] {strides = array<i32>} : memref<8x1024xf32, #tpu.memory_space<vmem>>, vector<1x16xf32>,
        %parallel_loop3A_215 = vector.shape_cast %parallel_loop3A_214 : vector<1x16xf32> to vector<16xf32>
        %parallel_loop3A_216 = arith.index_cast %parallel_loop3A_207 : i32 to index
        %parallel_loop3A_217 = arith.index_cast %parallel_loop3A_211 : i32 to index
        %parallel_loop3A_218 = tpu.vector_load %arg10[%parallel_loop3A_216, %parallel_loop3A_217] {strides = array<i32>} : memref<8x1024xf32, #tpu.memory_space<vmem>>, vector<1x16xf32>,
        %parallel_loop3A_219 = vector.shape_cast %parallel_loop3A_218 : vector<1x16xf32> to vector<16xf32>
        %parallel_loop3A_220 = arith.addf %parallel_loop3A_215, %parallel_loop3A_219 : vector<16xf32>
        %parallel_loop3A_221 = arith.index_cast %parallel_loop3A_207 : i32 to index
        %parallel_loop3A_222 = arith.index_cast %parallel_loop3A_211 : i32 to index
        %parallel_loop3A_223 = tpu.vector_load %arg18[%parallel_loop3A_221, %parallel_loop3A_222] {strides = array<i32>} : memref<8x1024xf32, #tpu.memory_space<vmem>>, vector<1x16xf32>,
        %parallel_loop3A_224 = vector.shape_cast %parallel_loop3A_223 : vector<1x16xf32> to vector<16xf32>
        %parallel_loop3A_225 = vector.shape_cast %parallel_loop3A_220 : vector<16xf32> to vector<1x16xf32>
        tpu.vector_store %arg18[%parallel_loop3A_221, %parallel_loop3A_222], %parallel_loop3A_225 {strides = array<i32>} : memref<8x1024xf32, #tpu.memory_space<vmem>>, vector<1x16xf32>,
      } {sc.loop_unroll_factor = 8 : i64, sc.parallel_access}
      %dma_start3A_193 = arith.constant 3 : i32
      %dma_start3A_194 = arith.constant 0 : i32
      %dma_start3A_195 = tpu.memref_slice %arg6[%dma_start3A_193, %add3A_86, %dma_start3A_194] : memref<4x8192x1024xf32, #tpu.memory_space<hbm>> -> memref<1x8x1024xf32, #tpu.memory_space<hbm>>
      %dma_start3A_196 = tpu.memref_squeeze %dma_start3A_195 : memref<1x8x1024xf32, #tpu.memory_space<hbm>> -> memref<8x1024xf32, #tpu.memory_space<hbm>>
      %dma_start3A_197 = arith.constant 0 : i32
      %dma_start3A_198 = tpu.memref_slice %arg6[%dma_start3A_193, %add3A_86, %dma_start3A_197] : memref<4x8192x1024xf32, #tpu.memory_space<hbm>> -> memref<1x8x1024xf32, #tpu.memory_space<hbm>>
      %dma_start3A_199 = tpu.memref_squeeze %dma_start3A_198 : memref<1x8x1024xf32, #tpu.memory_space<hbm>> -> memref<8x1024xf32, #tpu.memory_space<hbm>>
      tpu.enqueue_dma source(%arg18 : memref<8x1024xf32, #tpu.memory_space<vmem>>) target(%dma_start3A_199 : memref<8x1024xf32, #tpu.memory_space<hbm>>) target_semaphore(%arg28 : memref<!tpu.dma_semaphore, #tpu.memory_space<semaphore_mem>>)
      %lt3A_200 = arith.constant 31 : i32
      %lt3A_201 = arith.cmpi slt, %scan3A_83, %lt3A_200 : i32
      %convert_element_type3A_202 = arith.extui %lt3A_201 : i1 to i32
      %cond3A_203 = arith.constant 0 : i32
      %cond3A_204 = arith.cmpi ne, %convert_element_type3A_202, %cond3A_203 : i32
      scf.if %cond3A_204 {
        %dma_start3A_205 = arith.constant 3 : i32
        %dma_start3A_206 = arith.constant 0 : i32
        %dma_start3A_207 = tpu.memref_slice %arg3[%dma_start3A_205, %add3A_88, %dma_start3A_206] : memref<4x8192x1024xf32, #tpu.memory_space<hbm>> -> memref<1x8x1024xf32, #tpu.memory_space<hbm>>
        %dma_start3A_208 = tpu.memref_squeeze %dma_start3A_207 : memref<1x8x1024xf32, #tpu.memory_space<hbm>> -> memref<8x1024xf32, #tpu.memory_space<hbm>>
        %dma_start3A_209 = arith.constant 0 : i32
        %dma_start3A_210 = tpu.memref_slice %arg3[%dma_start3A_205, %add3A_88, %dma_start3A_209] : memref<4x8192x1024xf32, #tpu.memory_space<hbm>> -> memref<1x8x1024xf32, #tpu.memory_space<hbm>>
        %dma_start3A_211 = tpu.memref_squeeze %dma_start3A_210 : memref<1x8x1024xf32, #tpu.memory_space<hbm>> -> memref<8x1024xf32, #tpu.memory_space<hbm>>
        tpu.enqueue_dma source(%dma_start3A_211 : memref<8x1024xf32, #tpu.memory_space<hbm>>) target(%arg14 : memref<8x1024xf32, #tpu.memory_space<vmem>>) target_semaphore(%arg24 : memref<!tpu.dma_semaphore, #tpu.memory_space<semaphore_mem>>)
      } else {
      }
    }
    %scan3A_53 = arith.constant 32 : i32
    %add3A_54 = arith.constant 248 : i32
    %add3A_55 = arith.addi %mul3A_13, %add3A_54 : i32
    %dma_wait3A = arith.constant 0 : i32
    %dma_wait3A_56 = arith.constant 0 : i32
    %dma_wait3A_57 = tpu.memref_slice %arg6[%dma_wait3A, %add3A_55, %dma_wait3A_56] : memref<4x8192x1024xf32, #tpu.memory_space<hbm>> -> memref<1x8x1024xf32, #tpu.memory_space<hbm>>
    %dma_wait3A_58 = tpu.memref_squeeze %dma_wait3A_57 : memref<1x8x1024xf32, #tpu.memory_space<hbm>> -> memref<8x1024xf32, #tpu.memory_space<hbm>>
    %dma_wait3A_59 = arith.constant 0 : i32
    %dma_wait3A_60 = tpu.memref_slice %arg6[%dma_wait3A, %add3A_55, %dma_wait3A_59] : memref<4x8192x1024xf32, #tpu.memory_space<hbm>> -> memref<1x8x1024xf32, #tpu.memory_space<hbm>>
    %dma_wait3A_61 = tpu.memref_squeeze %dma_wait3A_60 : memref<1x8x1024xf32, #tpu.memory_space<hbm>> -> memref<8x1024xf32, #tpu.memory_space<hbm>>
    tpu.wait_dma2 semaphore(%arg25 : memref<!tpu.dma_semaphore, #tpu.memory_space<semaphore_mem>>) src(%arg15 : memref<8x1024xf32, #tpu.memory_space<vmem>>) dst(%dma_wait3A_61 : memref<8x1024xf32, #tpu.memory_space<hbm>>)
    %dma_wait3A_62 = arith.constant 1 : i32
    %dma_wait3A_63 = arith.constant 0 : i32
    %dma_wait3A_64 = tpu.memref_slice %arg6[%dma_wait3A_62, %add3A_55, %dma_wait3A_63] : memref<4x8192x1024xf32, #tpu.memory_space<hbm>> -> memref<1x8x1024xf32, #tpu.memory_space<hbm>>
    %dma_wait3A_65 = tpu.memref_squeeze %dma_wait3A_64 : memref<1x8x1024xf32, #tpu.memory_space<hbm>> -> memref<8x1024xf32, #tpu.memory_space<hbm>>
    %dma_wait3A_66 = arith.constant 0 : i32
    %dma_wait3A_67 = tpu.memref_slice %arg6[%dma_wait3A_62, %add3A_55, %dma_wait3A_66] : memref<4x8192x1024xf32, #tpu.memory_space<hbm>> -> memref<1x8x1024xf32, #tpu.memory_space<hbm>>
    %dma_wait3A_68 = tpu.memref_squeeze %dma_wait3A_67 : memref<1x8x1024xf32, #tpu.memory_space<hbm>> -> memref<8x1024xf32, #tpu.memory_space<hbm>>
    tpu.wait_dma2 semaphore(%arg26 : memref<!tpu.dma_semaphore, #tpu.memory_space<semaphore_mem>>) src(%arg16 : memref<8x1024xf32, #tpu.memory_space<vmem>>) dst(%dma_wait3A_68 : memref<8x1024xf32, #tpu.memory_space<hbm>>)
    %dma_wait3A_69 = arith.constant 2 : i32
    %dma_wait3A_70 = arith.constant 0 : i32
    %dma_wait3A_71 = tpu.memref_slice %arg6[%dma_wait3A_69, %add3A_55, %dma_wait3A_70] : memref<4x8192x1024xf32, #tpu.memory_space<hbm>> -> memref<1x8x1024xf32, #tpu.memory_space<hbm>>
    %dma_wait3A_72 = tpu.memref_squeeze %dma_wait3A_71 : memref<1x8x1024xf32, #tpu.memory_space<hbm>> -> memref<8x1024xf32, #tpu.memory_space<hbm>>
    %dma_wait3A_73 = arith.constant 0 : i32
    %dma_wait3A_74 = tpu.memref_slice %arg6[%dma_wait3A_69, %add3A_55, %dma_wait3A_73] : memref<4x8192x1024xf32, #tpu.memory_space<hbm>> -> memref<1x8x1024xf32, #tpu.memory_space<hbm>>
    %dma_wait3A_75 = tpu.memref_squeeze %dma_wait3A_74 : memref<1x8x1024xf32, #tpu.memory_space<hbm>> -> memref<8x1024xf32, #tpu.memory_space<hbm>>
    tpu.wait_dma2 semaphore(%arg27 : memref<!tpu.dma_semaphore, #tpu.memory_space<semaphore_mem>>) src(%arg17 : memref<8x1024xf32, #tpu.memory_space<vmem>>) dst(%dma_wait3A_75 : memref<8x1024xf32, #tpu.memory_space<hbm>>)
    %dma_wait3A_76 = arith.constant 3 : i32
    %dma_wait3A_77 = arith.constant 0 : i32
    %dma_wait3A_78 = tpu.memref_slice %arg6[%dma_wait3A_76, %add3A_55, %dma_wait3A_77] : memref<4x8192x1024xf32, #tpu.memory_space<hbm>> -> memref<1x8x1024xf32, #tpu.memory_space<hbm>>
    %dma_wait3A_79 = tpu.memref_squeeze %dma_wait3A_78 : memref<1x8x1024xf32, #tpu.memory_space<hbm>> -> memref<8x1024xf32, #tpu.memory_space<hbm>>
    %dma_wait3A_80 = arith.constant 0 : i32
    %dma_wait3A_81 = tpu.memref_slice %arg6[%dma_wait3A_76, %add3A_55, %dma_wait3A_80] : memref<4x8192x1024xf32, #tpu.memory_space<hbm>> -> memref<1x8x1024xf32, #tpu.memory_space<hbm>>
    %dma_wait3A_82 = tpu.memref_squeeze %dma_wait3A_81 : memref<1x8x1024xf32, #tpu.memory_space<hbm>> -> memref<8x1024xf32, #tpu.memory_space<hbm>>
    tpu.wait_dma2 semaphore(%arg28 : memref<!tpu.dma_semaphore, #tpu.memory_space<semaphore_mem>>) src(%arg18 : memref<8x1024xf32, #tpu.memory_space<vmem>>) dst(%dma_wait3A_82 : memref<8x1024xf32, #tpu.memory_space<hbm>>)
    return
  }
}

</mosaic_0001>

<sc_bundles>
// kernel: kernel.3.cloned.1.call-start
scs
__scs_entry_jumppad:
0x0: {  	(pc) =	sbr.rel $0x88, $3  }
0x1: {  	(tag) =	ssettag $0x0;
	lr =	simm.s32 $0x1  }
0x2: {  	[smem:$0x3F9D] =	sst lr;
	_ =	strace $0xD0000000  }
0x3: {  	_ = 	snop  }
0x4: {  	_ = 	snop  }
0x5: {  	_ = 	snop  }
0x6: {  	_ = 	snop  }
0x7: {  	_ = 	snop  }
__scs_overlays_trampoline_lowered:
0x8: {  	[smem:$0x3FAC] =	sst s0  }
0x9: {  	[smem:$0x3FAD] =	sst s1  }
0xa: {  	[smem:$0x3FAE] =	sst s2  }
0xb: {  	[smem:$0x3FAF] =	sst s3  }
0xc: {  	[smem:$0x3FB0] =	sst s4  }
0xd: {  	[smem:$0x3FB1] =	sst s5  }
0xe: {  	[smem:$0x3FB2] =	sst s6  }
0xf: {  	[smem:$0x3FB3] =	sst s7  }
0x10: {  	[smem:$0x3FB4] =	sst s8  }
0x11: {  	[smem:$0x3FB5] =	sst s9;
	s0 =	simm.s32 @!p0 $0x0  }
0x12: {  	s1 =	sld [smem:$0x3F9B];
	s0 =	simm.s32 @p0 $0x1  }
0x13: {  	[smem:$0x3FB6] =	sst s0;
	s0 =	simm.s32 @!p1 $0x0  }
0x14: {  	s2 =	sld [smem:$0x3F9A];
	s0 =	simm.s32 @p1 $0x1  }
0x15: {  	[smem:$0x3FB7] =	sst s0;
	s0 =	simm.s32 @!p2 $0x0  }
0x16: {  	s3 =	sld [smem:$0x3FDB];
	s0 =	simm.s32 @p2 $0x1  }
0x17: {  	s4 =	simm.s32 $0x1BF5;
	[smem:$0x3FB9] =	sst s0  }
0x18: {  	s0 =	sld [smem:$0x3F9C];
	_ =	swait.ge [sflag:s4], $0x0  }
0x19: {  	s7 =	sld [smem:$0x3F9D]  }
0x1a: {  	s8 =	sadd.s32 $0xFFFFE003, lr  }
0x1b: {  	s9 =	sadd.s32 $0xFFFFFEF7, lr;
	s5 =	simm.s32 $0xFFFFFFFF;
	p2 =	slt.u32 s8, $0xFFFFF086  }
0x1c: {  	p1 =	slt.u32 s9, $0xF7A;
	s5 =	simm.s32 @!p2 $0x0  }
0x1d: {  	s5 =	simm.s32 @p1 $0x1;
	p0 =	seq.s32 s7, s2  }
0x1e: {  	s7 =	smul.u32 @!p0 $0xF7A, s2;
	p2 =	seq.s32 @!p0 s5, $0x0  }
0x1f: {  	s9 =	smul.u32 $0xF7A, s1;
	s8 =	simm.s32 @!p0 $0x1BF5;
	p2 =	por !p2, p0  }
0x20: {  	[sflag:s8] =	ssyncset.s32 @!p0 $0xFFFFF086;
	s6 =	sadd.s32 @!p0 s3, s7;
	s7 =	simm.s32 @!p0 $0x108  }
0x21: {  	s3 =	sadd.s32 s3, s9;
	s6 =	sadd.s32 @!p0 $0x88, s6;
	s7 =	simm.s32 @p2 $0x1082  }
0x22: {  	[simem:s7], [sflag:s8] =	dma.local @!p0 [hbm:s6], $0xF7A  }
0x23: {  	s9 =	sor.u32 $0xD0000000, s2;
	s6 =	simm.s32 $0x108;
	_ =	swait.ge @!p0 [sflag:s8], $0x0  }
0x24: {  	s3 =	sadd.s32 $0x88, s3;
	s6 =	simm.s32 @!p1 $0x1082;
	[sflag:s4] =	ssyncset.s32 $0xFFFFF086  }
0x25: {  	[simem:s6], [sflag:s4] =	dma.local [hbm:s3], $0xF7A  }
0x26: {  	[smem:$0x3F9D] =	sst s1;
	(tag) =	ssettag s2;
	_ =	strace s9  }
0x27: {  	s1 =	sld [smem:$0x3FAD]  }
0x28: {  	s2 =	sld [smem:$0x3FAE]  }
0x29: {  	s4 =	sld [smem:$0x3FB0]  }
0x2a: {  	p0 =	seq.s32 s5, $0x0;
	s5 =	sld [smem:$0x3FB1]  }
0x2b: {  	s6 =	sld [smem:$0x3FB2]  }
0x2c: {  	s7 =	sld [smem:$0x3FB3]  }
0x2d: {  	s3 =	simm.s32 $0x108;
	s8 =	sld [smem:$0x3FB4]  }
0x2e: {  	s3 =	simm.s32 @!p0 $0x1082;
	s9 =	sld [smem:$0x3FB5]  }
0x2f: {  	lr =	sadd.s32 s0, s3;
	s0 =	sld [smem:$0x3FAC]  }
0x30: {  	s3 =	sld [smem:$0x3FAF]  }
0x31: {  	[smem:$0x3FB8] =	sst s10  }
0x32: {  	s10 =	sld [smem:$0x3FB6];
	_ =	sdelay $0x3  }
0x33: {  	p0 =	seq.s32 s10, $0x1;
	s10 =	sld [smem:$0x3FB8];
	_ =	sdelay $0x3  }
0x34: {  	[smem:$0x3FB8] =	sst s10  }
0x35: {  	s10 =	sld [smem:$0x3FB7];
	_ =	sdelay $0x3  }
0x36: {  	p1 =	seq.s32 s10, $0x1;
	s10 =	sld [smem:$0x3FB8];
	_ =	sdelay $0x3  }
0x37: {  	[smem:$0x3FB8] =	sst s10  }
0x38: {  	s10 =	sld [smem:$0x3FB9]  }
0x39: {  	_ = 	snop;
	(pc) =	sbr.ind lr, $3  }
0x3a: {  	_ = 	snop  }
0x3b: {  	_ = 	snop  }
0x3c: {  	p2 =	seq.s32 s10, $0x1;
	s10 =	sld [smem:$0x3FB8]  }
0x3d: {  	_ =	shalt  }
0x3e: {  	_ =	shalt  }
0x3f: {  	_ =	shalt  }
0x40: {  	_ =	shalt  }
0x41: {  	_ =	shalt  }
0x42: {  	_ =	shalt  }
0x43: {  	_ =	shalt  }
0x44: {  	_ =	shalt  }
0x45: {  	_ =	shalt  }
0x46: {  	_ =	shalt  }
0x47: {  	_ =	shalt  }
0x48: {  	_ =	shalt  }
0x49: {  	_ =	shalt  }
0x4a: {  	_ =	shalt  }
0x4b: {  	_ =	shalt  }
0x4c: {  	_ =	shalt  }
0x4d: {  	_ =	shalt  }
0x4e: {  	_ =	shalt  }
0x4f: {  	_ =	shalt  }
0x50: {  	_ =	shalt  }
0x51: {  	_ =	shalt  }
0x52: {  	_ =	shalt  }
0x53: {  	_ =	shalt  }
0x54: {  	_ =	shalt  }
0x55: {  	_ =	shalt  }
0x56: {  	_ =	shalt  }
0x57: {  	_ =	shalt  }
0x58: {  	_ =	shalt  }
0x59: {  	_ =	shalt  }
0x5a: {  	_ =	shalt  }
0x5b: {  	_ =	shalt  }
0x5c: {  	_ =	shalt  }
0x5d: {  	_ =	shalt  }
0x5e: {  	_ =	shalt  }
0x5f: {  	_ =	shalt  }
0x60: {  	_ =	shalt  }
0x61: {  	_ =	shalt  }
0x62: {  	_ =	shalt  }
0x63: {  	_ =	shalt  }
0x64: {  	_ =	shalt  }
0x65: {  	_ =	shalt  }
0x66: {  	_ =	shalt  }
0x67: {  	_ =	shalt  }
0x68: {  	_ =	shalt  }
0x69: {  	_ =	shalt  }
0x6a: {  	_ =	shalt  }
0x6b: {  	_ =	shalt  }
0x6c: {  	_ =	shalt  }
0x6d: {  	_ =	shalt  }
0x6e: {  	_ =	shalt  }
0x6f: {  	_ =	shalt  }
0x70: {  	_ =	shalt  }
0x71: {  	_ =	shalt  }
0x72: {  	_ =	shalt  }
0x73: {  	_ =	shalt  }
0x74: {  	_ =	shalt  }
0x75: {  	_ =	shalt  }
0x76: {  	_ =	shalt  }
0x77: {  	_ =	shalt  }
0x78: {  	_ =	shalt  }
0x79: {  	_ =	shalt  }
0x7a: {  	_ =	shalt  }
0x7b: {  	_ =	shalt  }
0x7c: {  	_ =	shalt  }
0x7d: {  	_ =	shalt  }
0x7e: {  	_ =	shalt  }
0x7f: {  	_ =	shalt  }
0x80: {  	_ =	shalt  }
0x81: {  	_ =	shalt  }
0x82: {  	_ =	shalt  }
0x83: {  	_ =	shalt  }
0x84: {  	_ =	shalt  }
0x85: {  	_ =	shalt  }
0x86: {  	_ =	shalt  }
0x87: {  	_ =	shalt  }
.Lfunc_end0:
.L_simem_size_0:
called_computation_lowered:
.L_overlay_start_0:
0x88: {  	s2 =	sld [smem:$0x3FD9]  }
0x89: {  	s3 =	sld [smem:$0x3FFE];
	_ =	sdelay $0x1  }
0x8a: {  	s1 =	srdreg.scid  }
0x8b: {  	s0 =	sand.u32 $0x1, s1  }
0x8c: {  	s17 =	sshll.u32 s0, $0xA;
	s2 =	sadd.s32 s3, s2  }
0x8d: {  	s2 =	sadd.s32 s2, s17  }
0x8e: {  	[smem:$0x3FC4] =	sst s2  }
0x8f: {  	_ = 	snop  }
0x90: {  	s2 =	sld [smem:$0x3FC9]  }
0x91: {  	s18 =	sld [smem:$0x3FC8]  }
0x92: {  	s4 =	sld [smem:$0x3FC6]  }
0x93: {  	s5 =	sld [smem:$0x3FD0];
	(tm) =	ssettm $0x1  }
0x94: {  	s6 =	sld [smem:$0x3FFB];
	_ =	sdelay $0x3  }
0x95: {  	_ =	strace s6  }
0x96: {  	s6 =	sld [smem:$0x3FFC];
	_ =	sdelay $0x3  }
0x97: {  	_ =	strace s6  }
0x98: {  	s6 =	sld [smem:$0x3FFD];
	_ =	sdelay $0x3  }
0x99: {  	_ =	strace s6  }
0x9a: {  	_ =	strace $0x8FFFFFFF  }
0x9b: {  	s19 =	sld [smem:$0x3FDB];
	_ =	sdelay $0x1  }
0x9c: {  	s7 =	simm.s32 $_scs_section_size  }
0x9d: {  	s8 =	simm.s32 $_size__tile_overlayer_lowered;
	s9 =	simm.s32 $_tile_overlayer_lowered  }
0x9e: {  	s22 =	simm.s32 $0x1BFF;
	s21 =	sshll.u32 s9, $0x1;
	s6 =	sadd.s32 s7, s19  }
0x9f: {  	s10 =	simm.s32 $0x0;
	s20 =	sshll.u32 s8, $0x1;
	s8 =	sadd.s32 s21, s6  }
0xa0: {  	[timem:s10], [sflag:s22] =	dma.local [hbm:s8], s20  }
0xa1: {  	_ =	swait.ge [sflag:s22], s20  }
0xa2: {  	s7 =	ssub.s32 $0x0, s20;
	[sflag:s22] =	ssyncset.done $0x0  }
0xa3: {  	[sflag:s22] =	ssyncadd.s32 s7;
	_ =	sdelay $0x1  }
0xa4: {  	s23 =	simm.s32 $0x1B8B  }
0xa5: {  	_ =	swait.ge [sflag:s23], $0x1  }
0xa6: {  	[sflag:s23] =	ssyncset.done $0x0  }
0xa7: {  	s25 =	simm.s32 $0x1B8E;
	s24 =	sld [smem:$0x3FFE];
	[sflag:s23] =	ssyncadd.s32 $0xFFFFFFFF  }
0xa8: {  	s26 =	simm.s32 $execute0_lowered;
	[smem:$0x3FD2] =	sst s25  }
0xa9: {  	s8 =	sshll.u32 s26, $0x1;
	_ =	strace $0x80000046;
	[dreg:$0x1] =	wrdreg $0xFFFFFFFF  }
0xaa: {  	s28 =	simm.s32 $_size_execute0_lowered;
	s6 =	sadd.s32 s6, s8;
	[dreg:$0x0] =	wrdreg $0x0  }
0xab: {  	s8 =	sshll.u32 s28, $0x1;
	[dreg:$0x2] =	wrdreg s6  }
0xac: {  	[dreg:$0x3] =	wrdreg s8  }
0xad: {  	[dreg:$0x4] =	wrdreg $0xC0  }
0xae: {  	_ =	task [dreg:s10], $0x5FFFF  }
0xaf: {  	[dreg:$0x1] =	wrdreg $0xFFFFFFFF  }
0xb0: {  	[dreg:$0x0] =	wrdreg $0x60  }
0xb1: {  	[dreg:$0x2] =	wrdreg s24  }
0xb2: {  	[dreg:$0x3] =	wrdreg s2  }
0xb3: {  	[dreg:$0x4] =	wrdreg s18  }
0xb4: {  	[dreg:$0x5] =	wrdreg s4  }
0xb5: {  	[dreg:$0x6] =	wrdreg s5  }
0xb6: {  	[dreg:$0x7] =	wrdreg $0x9  }
0xb7: {  	_ =	task.clear_ibuf [dreg:s10], $0x8FFFF;
	_ =	strace $0x90000046  }
0xb8: {  	s29 =	simm.s32 $0x9;
	_ =	strace $0x80000048  }
0xb9: {  	_ =	swait.ge [sflag:s29], $0x1  }
0xba: {  	[sflag:s29] =	ssyncadd.s32 $0xFFFFFFFF  }
0xbb: {  	_ =	strace $0x90000048  }
0xbc: {  	_ =	sfence  }
0xbd: {  	s30 =	sld [smem:$0x0];
	_ =	sdelay $0x2  }
0xbe: {  	s31 =	sshll.u32 s1, $0xD;
	s1 =	sshrl.u32 s1, $0x2  }
0xbf: {  	s3 =	sand.u32 $0x4000, s31;
	s1 =	sadd.s32 s1, s30  }
0xc0: {  	s0 =	sor.u32 s3, s0;
	s1 =	sshll.u32 s1, $0x11  }
0xc1: {  	s0 =	sor.u32 s1, s0  }
0xc2: {  	s0 =	sadd.s32 $0x8F2B, s0  }
0xc3: {  	[sflag:s0] =	ssyncadd.remote.s32 $0x1  }
0xc4: {  	_ =	sfence.sel $0xFFFF  }
0xc5: {  	[dreg:$0x0] =	wrdreg $0xFFFFFFFF;
	(pc) =	sbr.abs _section_cstart, $3  }
0xc6: {  	[dreg:$0x1] =	wrdreg $0xFFFFFFFF  }
0xc7: {  	_ =	task.clear_ibuf [dreg:s10], $0x2FFFF;
	_ =	strace $0x9FFFFFFF  }
0xc8: {  	(tm) =	ssettm $0x7FFFFFFF  }
0xc9: {  	_ =	shalt  }
tec
execute0_lowered:
.L_overlay_start_1:
0x0: {  	(tag) =	ssettag $0x1  }
0x1: {  	s0 =	rddreg [dreg:$0x0]  }
0x2: {  	s3 =	rddreg [dreg:$0x1]  }
0x3: {  	s5 =	rddreg [dreg:$0x2]  }
0x4: {  	s8 =	rddreg [dreg:$0x3]  }
0x5: {  	s9 =	rddreg [dreg:$0x4]  }
0x6: {  	s1 =	srdreg.scid;
	s6 =	simm.s32 $0x0;
	s2 =	stileid.u32  }
0x7: {  	s29 =	simm.s32 $0xC080;
	s30 =	simm.s32 $0x1;
	s31 =	simm.s32 $0x2  }
0x8: {  	s10 =	simm.s32 $0x9;
	s11 =	simm.s32 $0x12080;
	s14 =	simm.s32 $0x6  }
0x9: {  	s15 =	simm.s32 $0xA;
	s17 =	simm.s32 $0x14080;
	s1 =	sand.u32 $0x1, s1  }
0xa: {  	[smem:$0x7FF] =	sst s6;
	s2 =	sshll.u32 s2, $0x9;
	s0 =	sadd.s32 $0x400, s0  }
0xb: {  	s24 =	sadd.s32 $0x100000, s3;
	s25 =	sadd.s32 $0x200000, s3;
	s16 =	sadd.s32 $0x300000, s3  }
0xc: {  	s18 =	sadd.s32 $0x100000, s9;
	s19 =	sadd.s32 $0x200000, s9;
	s13 =	smov.u32 s9  }
0xd: {  	s4 =	sshll.u32 s1, $0x8;
	_ =	strace $0x80000047;
	[dreg:$0x6] =	wrdreg s0  }
0xe: {  	s1 =	ssub.s32 $0x2, s1;
	[dreg:$0xa] =	wrdreg s24;
	s7 =	sor.u32 s4, s2  }
0xf: {  	[dreg:$0xb] =	wrdreg s25;
	s20 =	sshrl.u32 s1, $0x1;
	s2 =	sshll.u32 s7, $0x7  }
0x10: {  	s4 =	simm.s32 $0xE080;
	s0 =	ssub.s32 s1, s20;
	s21 =	sadd.s32 s5, s2  }
0x11: {  	s20 =	sadd.s32 $0x300000, s9;
	s22 =	sadd.s32 s8, s2;
	[dreg:$0x7] =	wrdreg s21  }
0x12: {  	s9 =	simm.s32 $0x5;
	s23 =	sadd.s32 s3, s2;
	[dreg:$0x8] =	wrdreg s22  }
.Ltmp0:
0x13: {  	s1 =	sadd.s32 s2, s24;
	[dreg:$0x9] =	wrdreg s23;
	(pc) =	sbr.rel .LBB2_1-.Ltmp0, $4  }
0x14: {  	s26 =	sadd.s32 s2, s25;
	s28 =	sadd.s32 s2, s16;
	[dreg:$0xc] =	wrdreg s1  }
0x15: {  	s0 =	smax.u32 s0, $0x1;
	s24 =	simm.s32 $0x8;
	[dreg:$0xd] =	wrdreg s26  }
0x16: {  	s8 =	simm.s32 $0x10080;
	s2 =	simm.s32 $0x0;
	[dreg:$0xe] =	wrdreg s28  }
0x17: {  	[dreg:$0xf] =	wrdreg s0;
	s0 =	simm.s32 $0x3;
	s23 =	simm.s32 $0x4  }
.LBB2_24:
0x18: {  	s1 =	simm.s32 $0x7  }
0x19: {  	_ =	swait.ge [sflag:s1], $0x2000  }
0x1a: {  	[sflag:s1] =	ssyncset.done $0x0  }
0x1b: {  	[sflag:s1] =	ssyncadd.s32 $0xFFFFE000  }
0x1c: {  	_ =	swait.ge [sflag:s24], $0x2000  }
0x1d: {  	[sflag:s24] =	ssyncset.done $0x0  }
0x1e: {  	[sflag:s24] =	ssyncadd.s32 $0xFFFFE000  }
0x1f: {  	_ =	swait.ge [sflag:s10], $0x2000  }
0x20: {  	[sflag:s10] =	ssyncset.done $0x0  }
0x21: {  	[sflag:s10] =	ssyncadd.s32 $0xFFFFE000  }
0x22: {  	_ =	swait.ge [sflag:s15], $0x2000  }
0x23: {  	s2 =	rddreg [dreg:$0x10]  }
0x24: {  	s28 =	rddreg [dreg:$0xf];
	s2 =	sadd.s32 $0x1, s2  }
0x25: {  	p0 =	sne.s32 s2, s28  }
.Ltmp1:
0x26: {  	_ = 	snop;
	(pc) =	sbr.rel @!p0 .LBB2_25-.Ltmp1, $3  }
0x27: {  	_ =	sdelay $0x1  }
0x28: {  	[sflag:s15] =	ssyncset.done $0x0  }
0x29: {  	[sflag:s15] =	ssyncadd.s32 $0xFFFFE000  }
.LBB2_1:
0x2a: {  	[dreg:$0x10] =	wrdreg s2  }
0x2b: {  	s1 =	rddreg [dreg:$0x6];
	s25 =	simm.s32 $0xB  }
0x2c: {  	[tilespmem:s6], [sflag:$0xB] =	stream.linear.gather [hbm4b:s1+s6], $0x80, $0x38;
	[tilespmem:$0x16080] =	vst v63  }
0x2d: {  	_ =	swait.ge [sflag:s25], $0x80  }
0x2e: {  	[sflag:s25] =	ssyncset.done $0x0  }
0x2f: {  	[sflag:s25] =	ssyncadd.s32 $0xFFFFFF80  }
0x30: {  	v0 =	vld [tilespmem:$0x0];
	_ =	sdelay $0x4  }
0x31: {  	v0 =	vsub.f32 $0.0e+00, v0;
	_ =	sdelay $0x1  }
0x32: {  	v0 =	vmul.f32 $1.442695020e+00, v0;
	_ =	sdelay $0x1  }
0x33: {  	(erf) = vpow2.f32 v0;
	_ =	sdelay $0x8  }
0x34: {  	v0 =	vpop (erf)  }
0x35: {  	v0 =	vadd.f32 $1.000000000e+00, v0;
	_ =	sdelay $0x1  }
0x36: {  	s28 =	simm.s32 $0x80;
	s26 =	rddreg [dreg:$0x7];
	(erf) = vrcp.f32 v0  }
0x37: {  	[tilespmem:s28], [sflag:$0x1] =	stream.linear.gather [hbm4b:s26+s6], $0x2000, $0x38;
	[tilespmem:$0x16080] =	vst v63  }
0x38: {  	s3 =	simm.s32 $0x2080;
	s2 =	rddreg [dreg:$0x8]  }
0x39: {  	[tilespmem:s3], [sflag:$0x2] =	stream.linear.gather [hbm4b:s2+s6], $0x2000, $0x38;
	[tilespmem:$0x16080] =	vst v63  }
0x3a: {  	s12 =	simm.s32 $0x6080;
	s5 =	rddreg [dreg:$0x9]  }
0x3b: {  	[tilespmem:s12], [sflag:$0x3] =	stream.linear.gather [hbm4b:s5+s6], $0x2000, $0x38;
	[tilespmem:$0x16080] =	vst v63  }
0x3c: {  	s22 =	simm.s32 $0x8080;
	s21 =	rddreg [dreg:$0xc]  }
0x3d: {  	[tilespmem:s22], [sflag:$0x4] =	stream.linear.gather [hbm4b:s21+s6], $0x2000, $0x38;
	[tilespmem:$0x16080] =	vst v63  }
0x3e: {  	s25 =	rddreg [dreg:$0xd];
	s26 =	simm.s32 $0xA080  }
0x3f: {  	[tilespmem:s26], [sflag:$0x5] =	stream.linear.gather [hbm4b:s25+s6], $0x2000, $0x38;
	v0 =	vpop (erf);
	[tilespmem:$0x16080] =	vst v63  }
0x40: {  	s28 =	rddreg [dreg:$0xe];
	s21 =	simm.s32 $0x0;
	v1 =	vsub.f32 $1.000000000e+00, v0  }
0x41: {  	[tilespmem:s29], [sflag:$0x6] =	stream.linear.gather [hbm4b:s28+s6], $0x2000, $0x38;
	[tilespmem:$0x16080] =	vst v63  }
.LBB2_2:
0x42: {  	_ =	swait.ge [sflag:s30], $0x2000  }
0x43: {  	[sflag:s30] =	ssyncset.done $0x0  }
0x44: {  	[sflag:s30] =	ssyncadd.s32 $0xFFFFE000  }
0x45: {  	_ =	swait.ge [sflag:s31], $0x2000  }
0x46: {  	[sflag:s31] =	ssyncset.done $0x0  }
0x47: {  	[sflag:s31] =	ssyncadd.s32 $0xFFFFE000  }
0x48: {  	_ =	swait.ge [sflag:s0], $0x2000  }
0x49: {  	p0 =	seq.s32 s21, $0x0;
	[sflag:s0] =	ssyncset.done $0x0  }
0x4a: {  	s25 =	simm.s32 $0x0;
	s1 =	simm.s32 @!p0 $0x7;
	[sflag:s0] =	ssyncadd.s32 $0xFFFFE000  }
0x4b: {  	s2 =	sand.u32 $0x1C00, s25;
	_ =	swait.ge @!p0 [sflag:s1], $0x2000  }
0x4c: {  	s22 =	sor.u32 s2, s25;
	[sflag:s1] =	ssyncset.done @!p0 $0x0  }
0x4d: {  	s22 =	sor.u32 $0x70, s22;
	[sflag:s1] =	ssyncadd.s32 @!p0 $0xFFFFE000  }
0x4e: {  	s12 =	sand.u32 $0x380, s25;
	v2 =	vld [tilespmem:s22+$0x80]  }
0x4f: {  	s1 =	sor.u32 s12, s2;
	v3 =	vld [tilespmem:s22+$0x2080]  }
0x50: {  	v4 =	vld [tilespmem:s1+$0x80]  }
0x51: {  	v5 =	vld [tilespmem:s1+$0x2080]  }
0x52: {  	v6 =	vld [tilespmem:s1+$0x90]  }
0x53: {  	v8 =	vld [tilespmem:s22+$0x6080]  }
0x54: {  	v7 =	vld [tilespmem:s1+$0x2090]  }
0x55: {  	v9 =	vld [tilespmem:s1+$0xA0]  }
0x56: {  	v10 =	vld [tilespmem:s1+$0x20A0]  }
0x57: {  	v11 =	vld [tilespmem:s1+$0xB0]  }
0x58: {  	v12 =	vld [tilespmem:s1+$0x20B0]  }
0x59: {  	v14 =	vld [tilespmem:s1+$0x20C0];
	v2 =	vmul.f32 v2, v0;
	v3 =	vmul.f32 v3, v1  }
0x5a: {  	v13 =	vld [tilespmem:s1+$0xC0];
	v4 =	vmul.f32 v4, v0;
	v5 =	vmul.f32 v5, v1  }
0x5b: {  	v16 =	vld [tilespmem:s1+$0xD0];
	v15 =	vadd.f32 v3, v2;
	v3 =	vmul.f32 v6, v0;
	v6 =	vmul.f32 v7, v1  }
0x5c: {  	v17 =	vld [tilespmem:s1+$0x20D0];
	v2 =	vadd.f32 v5, v4;
	v4 =	vmul.f32 v9, v0;
	v5 =	vmul.f32 v10, v1  }
0x5d: {  	v10 =	vmul.f32 v12, v1;
	v12 =	vld [tilespmem:s1+$0xE0];
	[tilespmem:s22+$0x4080] =	vst v15;
	v3 =	vadd.f32 v6, v3;
	v6 =	vmul.f32 v11, v0  }
0x5e: {  	v14 =	vmul.f32 v14, v1;
	v7 =	vld [tilespmem:s1+$0x20E0];
	[tilespmem:s1+$0x4080] =	vst v2;
	v4 =	vadd.f32 v5, v4  }
0x5f: {  	v9 =	vld [tilespmem:s1+$0x6080];
	v11 =	vmul.f32 v13, v0;
	[tilespmem:s1+$0x4090] =	vst v3;
	v5 =	vadd.f32 v10, v6;
	v6 =	vadd.f32 v15, v8  }
0x60: {  	s26 =	sshll.u32 s21, $0x3;
	[tilespmem:s1+$0x40A0] =	vst v4;
	v10 =	vld [tilespmem:s1+$0x6090]  }
0x61: {  	s26 =	sadd.s32 s7, s26;
	v13 =	vmul.f32 v16, v0;
	v8 =	vld [tilespmem:s1+$0x60A0];
	[tilespmem:s22+$0xE080] =	vst v6;
	v6 =	vadd.f32 v14, v11;
	v14 =	vmul.f32 v17, v1  }
0x62: {  	s28 =	simm.s32 $0x0;
	s2 =	simm.s32 $0x400;
	v12 =	vmul.f32 v12, v0;
	[tilespmem:s1+$0x40B0] =	vst v5;
	s22 =	sadd.s32 $0x8, s26;
	v11 =	vld [tilespmem:s1+$0x60B0]  }
.LBB2_3:
0x63: {  	s3 =	sand.u32 $0x1C00, s2;
	[tilespmem:s1+$0x40C0] =	vst v6;
	v15 =	vld [tilespmem:s1+$0x60C0];
	v13 =	vadd.f32 v14, v13;
	v7 =	vmul.f32 v7, v1;
	s25 =	sadd.s32 $0x10, s25  }
0x64: {  	s28 =	sadd.s32 $0x8, s28;
	s5 =	sand.u32 $0x380, s25;
	s12 =	sor.u32 s3, s25;
	v2 =	vadd.f32 v2, v9;
	v9 =	vld [tilespmem:s1+$0x60D0]  }
0x65: {  	p1 =	slt.u32 s28, $0x1F8;
	s3 =	sor.u32 s5, s3;
	s5 =	sor.u32 $0x70, s12;
	v3 =	vadd.f32 v3, v10;
	[tilespmem:s1+$0x40D0] =	vst v13;
	v7 =	vadd.f32 v7, v12;
	v10 =	vld [tilespmem:s1+$0x60E0]  }
0x66: {  	v12 =	vld [tilespmem:s5+$0x80];
	[tilespmem:s1+$0xE080] =	vst v2;
	v2 =	vadd.f32 v4, v8  }
0x67: {  	v4 =	vld [tilespmem:s5+$0x2080];
	[tilespmem:s1+$0xE090] =	vst v3;
	v3 =	vadd.f32 v5, v11  }
0x68: {  	v5 =	vld [tilespmem:s3+$0x80];
	[tilespmem:s1+$0xE0A0] =	vst v2;
	v2 =	vadd.f32 v6, v15  }
0x69: {  	v6 =	vld [tilespmem:s3+$0x2080];
	[tilespmem:s1+$0xE0B0] =	vst v3;
	v3 =	vadd.f32 v13, v9  }
0x6a: {  	v8 =	vld [tilespmem:s3+$0x90];
	[tilespmem:s1+$0xE0C0] =	vst v2;
	v2 =	vadd.f32 v7, v10  }
0x6b: {  	v9 =	vld [tilespmem:s5+$0x6080];
	[tilespmem:s1+$0xE0D0] =	vst v3  }
0x6c: {  	v10 =	vmul.f32 v12, v0;
	v3 =	vld [tilespmem:s3+$0x2090];
	v4 =	vmul.f32 v4, v1;
	[tilespmem:s1+$0xE0E0] =	vst v2  }
0x6d: {  	v2 =	vmul.f32 v5, v0;
	v5 =	vld [tilespmem:s3+$0xA0];
	[tilespmem:s1+$0x40E0] =	vst v7;
	s1 =	smov.u32 s3  }
0x6e: {  	v6 =	vmul.f32 v6, v1;
	v7 =	vld [tilespmem:s1+$0x20A0];
	v4 =	vadd.f32 v4, v10  }
0x6f: {  	v8 =	vmul.f32 v8, v0;
	v10 =	vld [tilespmem:s1+$0xB0]  }
0x70: {  	v2 =	vadd.f32 v6, v2;
	v6 =	vld [tilespmem:s1+$0x20B0];
	[tilespmem:s5+$0x4080] =	vst v4;
	v4 =	vadd.f32 v4, v9  }
0x71: {  	v3 =	vmul.f32 v3, v1;
	v9 =	vld [tilespmem:s1+$0xC0]  }
0x72: {  	v5 =	vmul.f32 v5, v0;
	v11 =	vld [tilespmem:s1+$0x20C0];
	[tilespmem:s5+$0xE080] =	vst v4  }
0x73: {  	[tilespmem:s1+$0x4080] =	vst v2;
	v3 =	vadd.f32 v3, v8;
	v4 =	vmul.f32 v7, v1;
	v8 =	vld [tilespmem:s1+$0xD0]  }
0x74: {  	v10 =	vmul.f32 v10, v0;
	v12 =	vld [tilespmem:s1+$0x20D0]  }
0x75: {  	[tilespmem:s1+$0x4090] =	vst v3;
	v4 =	vadd.f32 v4, v5;
	v5 =	vmul.f32 v6, v1;
	v15 =	vld [tilespmem:s1+$0xE0]  }
.Ltmp2:
0x76: {  	v6 =	vmul.f32 v9, v0;
	v7 =	vld [tilespmem:s1+$0x20E0];
	(pc) =	sbr.rel @p1 .LBB2_3-.Ltmp2, $4  }
0x77: {  	v9 =	vld [tilespmem:s1+$0x6080];
	[tilespmem:s1+$0x40A0] =	vst v4;
	v5 =	vadd.f32 v5, v10;
	v11 =	vmul.f32 v11, v1  }
0x78: {  	v10 =	vld [tilespmem:s1+$0x6090];
	v13 =	vmul.f32 v8, v0  }
0x79: {  	v8 =	vld [tilespmem:s1+$0x60A0];
	[tilespmem:s1+$0x40B0] =	vst v5;
	v6 =	vadd.f32 v11, v6;
	v14 =	vmul.f32 v12, v1  }
0x7a: {  	s2 =	sadd.s32 $0x400, s2;
	v11 =	vld [tilespmem:s1+$0x60B0];
	v12 =	vmul.f32 v15, v0  }
0x7b: {  	v13 =	vadd.f32 v14, v13  }
0x7c: {  	[tilespmem:s1+$0x40C0] =	vst v6;
	v15 =	vld [tilespmem:s1+$0x60C0];
	v7 =	vmul.f32 v7, v1;
	v2 =	vadd.f32 v2, v9  }
0x7d: {  	v61 =	vld [tilespmem:s1+$0x60D0];
	v3 =	vadd.f32 v3, v10;
	[tilespmem:s1+$0x40D0] =	vst v13  }
0x7e: {  	v62 =	vld [tilespmem:s1+$0x60E0];
	v63 =	vadd.f32 v7, v12;
	[tilespmem:s1+$0xE080] =	vst v2  }
0x7f: {  	v2 =	vadd.f32 v4, v8;
	[tilespmem:s1+$0xE090] =	vst v3  }
0x80: {  	v3 =	vadd.f32 v5, v11;
	[tilespmem:s1+$0x40E0] =	vst v63  }
0x81: {  	[tilespmem:s1+$0xE0A0] =	vst v2;
	v2 =	vadd.f32 v6, v15  }
0x82: {  	[tilespmem:s1+$0xE0B0] =	vst v3;
	v3 =	vadd.f32 v13, v61  }
0x83: {  	[tilespmem:s1+$0xE0C0] =	vst v2;
	v2 =	vadd.f32 v63, v62  }
0x84: {  	p1 =	seq.s32 s21, $0x1F;
	[tilespmem:s1+$0xE0D0] =	vst v3  }
0x85: {  	s2 =	sshll.u32 @!p1 s22, $0x7;
	[tilespmem:s1+$0xE0E0] =	vst v2;
	s1 =	rddreg [dreg:$0x2]  }
0x86: {  	s3 =	simm.s32 @!p1 $0x0;
	s5 =	simm.s32 @!p1 $0x80;
	s1 =	sadd.s32 @!p1 s1, s2  }
0x87: {  	[tilespmem:s5], [sflag:$0x1] =	stream.linear.gather @!p1 [hbm4b:s1+s3], $0x2000, $0x38;
	[tilespmem:$0x16080] =	vst v63  }
0x88: {  	p2 =	sne.s32 s21, $0x1F;
	s1 =	rddreg [dreg:$0x3]  }
.Ltmp3:
0x89: {  	s1 =	sadd.s32 @!p1 s1, s2;
	s2 =	simm.s32 @!p1 $0x2080;
	(pc) =	sbr.rel @p2 .LBB2_6-.Ltmp3, $4  }
0x8a: {  	[tilespmem:s2], [sflag:$0x2] =	stream.linear.gather @!p1 [hbm4b:s1+s3], $0x2000, $0x38;
	[tilespmem:$0x16080] =	vst v63  }
0x8b: {  	s1 =	sshll.u32 s26, $0x7  }
0x8c: {  	s28 =	sadd.s32 s13, s1  }
0x8d: {  	[hbm4b:s28+s6] =	stream.linear.scatter [tilespmem:s4], [sflag:$0x7], $0x2000, $0x38;
	[tilespmem:$0x16080] =	vst v63  }
.Ltmp4:
0x8e: {  	(pc) =	sbr.rel .LBB2_7-.Ltmp4, $4  }
0x8f: {  	_ = 	snop  }
0x90: {  	_ =	swait.ge [sflag:s23], $0x2000  }
0x91: {  	[sflag:s23] =	ssyncset.done $0x0  }
0x92: {  	[sflag:s23] =	ssyncadd.s32 $0xFFFFE000  }
.LBB2_6:
0x93: {  	s2 =	sshll.u32 s22, $0x7;
	s3 =	rddreg [dreg:$0x1]  }
.Ltmp5:
0x94: {  	s28 =	simm.s32 $0x6080;
	s2 =	sadd.s32 s3, s2;
	(pc) =	sbr.rel @p0 .LBB2_8-.Ltmp5, $4  }
0x95: {  	[tilespmem:s28], [sflag:$0x3] =	stream.linear.gather [hbm4b:s2+s6], $0x2000, $0x38;
	[tilespmem:$0x16080] =	vst v63  }
0x96: {  	_ =	swait.ge [sflag:s23], $0x2000  }
0x97: {  	[sflag:s23] =	ssyncset.done $0x0  }
0x98: {  	[sflag:s23] =	ssyncadd.s32 $0xFFFFE000  }
.LBB2_7:
0x99: {  	_ =	swait.ge [sflag:s24], $0x2000  }
0x9a: {  	[sflag:s24] =	ssyncset.done $0x0  }
0x9b: {  	[sflag:s24] =	ssyncadd.s32 $0xFFFFE000  }
.LBB2_8:
0x9c: {  	s25 =	simm.s32 $0x0  }
0x9d: {  	s2 =	sand.u32 $0x1C00, s25;
	s5 =	sand.u32 $0x380, s25  }
0x9e: {  	s3 =	sor.u32 s2, s25;
	s2 =	sor.u32 s5, s2  }
0x9f: {  	v4 =	vld [tilespmem:s2+$0x8080]  }
0xa0: {  	v5 =	vld [tilespmem:s2+$0x4080]  }
0xa1: {  	s3 =	sor.u32 $0x70, s3;
	v7 =	vld [tilespmem:s2+$0x8090]  }
0xa2: {  	v2 =	vld [tilespmem:s3+$0x8080]  }
0xa3: {  	v3 =	vld [tilespmem:s3+$0x4080]  }
0xa4: {  	v8 =	vld [tilespmem:s2+$0x4090]  }
0xa5: {  	v9 =	vld [tilespmem:s2+$0x80A0]  }
0xa6: {  	v10 =	vld [tilespmem:s2+$0x40A0]  }
0xa7: {  	v6 =	vld [tilespmem:s2+$0x40B0];
	v4 =	vadd.f32 v5, v4  }
0xa8: {  	v3 =	vadd.f32 v3, v2;
	v2 =	vld [tilespmem:s2+$0x80B0]  }
0xa9: {  	v5 =	vadd.f32 v8, v7;
	[tilespmem:s2+$0x10080] =	vst v4;
	v4 =	vld [tilespmem:s2+$0x40C0]  }
0xaa: {  	[tilespmem:s3+$0x10080] =	vst v3;
	v3 =	vld [tilespmem:s2+$0x80C0]  }
0xab: {  	s26 =	simm.s32 $0x0;
	s28 =	simm.s32 $0x400;
	v7 =	vadd.f32 v10, v9;
	[tilespmem:s2+$0x10090] =	vst v5;
	v5 =	vld [tilespmem:s2+$0x80D0]  }
.LBB2_9:
0xac: {  	s3 =	sand.u32 $0x1C00, s28;
	v8 =	vld [tilespmem:s2+$0x40D0];
	s25 =	sadd.s32 $0x10, s25  }
0xad: {  	s26 =	sadd.s32 $0x8, s26;
	s5 =	sand.u32 $0x380, s25;
	s12 =	sor.u32 s3, s25;
	[tilespmem:s2+$0x100A0] =	vst v7;
	v2 =	vadd.f32 v6, v2;
	v6 =	vld [tilespmem:s2+$0x80E0]  }
0xae: {  	p3 =	slt.u32 s26, $0x1F8;
	s3 =	sor.u32 s5, s3;
	s5 =	sor.u32 $0x70, s12;
	v7 =	vld [tilespmem:s2+$0x40E0]  }
0xaf: {  	v9 =	vld [tilespmem:s5+$0x8080];
	[tilespmem:s2+$0x100B0] =	vst v2;
	v2 =	vadd.f32 v4, v3  }
0xb0: {  	v3 =	vld [tilespmem:s5+$0x4080]  }
0xb1: {  	v4 =	vld [tilespmem:s3+$0x8080];
	[tilespmem:s2+$0x100C0] =	vst v2;
	v2 =	vadd.f32 v8, v5  }
0xb2: {  	v5 =	vld [tilespmem:s3+$0x4080]  }
0xb3: {  	v8 =	vld [tilespmem:s3+$0x8090];
	[tilespmem:s2+$0x100D0] =	vst v2;
	v2 =	vadd.f32 v7, v6  }
0xb4: {  	v7 =	vld [tilespmem:s3+$0x4090]  }
0xb5: {  	v10 =	vld [tilespmem:s3+$0x80A0];
	v3 =	vadd.f32 v3, v9;
	[tilespmem:s2+$0x100E0] =	vst v2;
	s2 =	smov.u32 s3  }
0xb6: {  	v9 =	vld [tilespmem:s2+$0x40A0]  }
.Ltmp6:
0xb7: {  	v4 =	vadd.f32 v5, v4;
	v2 =	vld [tilespmem:s2+$0x80B0];
	[tilespmem:s5+$0x10080] =	vst v3;
	(pc) =	sbr.rel @p3 .LBB2_9-.Ltmp6, $4  }
0xb8: {  	v6 =	vld [tilespmem:s2+$0x40B0]  }
0xb9: {  	[tilespmem:s2+$0x10080] =	vst v4;
	v5 =	vadd.f32 v7, v8;
	v3 =	vld [tilespmem:s2+$0x80C0]  }
0xba: {  	v4 =	vld [tilespmem:s2+$0x40C0]  }
0xbb: {  	s28 =	sadd.s32 $0x400, s28;
	[tilespmem:s2+$0x10090] =	vst v5;
	v7 =	vadd.f32 v9, v10;
	v5 =	vld [tilespmem:s2+$0x80D0]  }
0xbc: {  	v8 =	vld [tilespmem:s2+$0x40D0]  }
0xbd: {  	v9 =	vld [tilespmem:s2+$0x80E0]  }
0xbe: {  	v10 =	vld [tilespmem:s2+$0x40E0];
	_ =	sdelay $0x1  }
0xbf: {  	v2 =	vadd.f32 v6, v2  }
0xc0: {  	[tilespmem:s2+$0x100A0] =	vst v7;
	v3 =	vadd.f32 v4, v3  }
.Ltmp7:
0xc1: {  	[tilespmem:s2+$0x100B0] =	vst v2;
	v2 =	vadd.f32 v8, v5;
	(pc) =	sbr.rel @p2 .LBB2_12-.Ltmp7, $4  }
0xc2: {  	[tilespmem:s2+$0x100C0] =	vst v3;
	v3 =	vadd.f32 v10, v9  }
0xc3: {  	[tilespmem:s2+$0x100D0] =	vst v2  }
0xc4: {  	s28 =	sadd.s32 s1, s18;
	[tilespmem:s2+$0x100E0] =	vst v3  }
0xc5: {  	[hbm4b:s28+s6] =	stream.linear.scatter [tilespmem:s8], [sflag:$0x8], $0x2000, $0x38;
	[tilespmem:$0x16080] =	vst v63  }
.Ltmp8:
0xc6: {  	(pc) =	sbr.rel .LBB2_13-.Ltmp8, $4  }
0xc7: {  	_ = 	snop  }
0xc8: {  	_ =	swait.ge [sflag:s9], $0x2000  }
0xc9: {  	[sflag:s9] =	ssyncset.done $0x0  }
0xca: {  	[sflag:s9] =	ssyncadd.s32 $0xFFFFE000  }
.LBB2_12:
0xcb: {  	s2 =	sshll.u32 s22, $0x7;
	s3 =	rddreg [dreg:$0xa]  }
.Ltmp9:
0xcc: {  	s28 =	simm.s32 $0x8080;
	s2 =	sadd.s32 s2, s3;
	(pc) =	sbr.rel @p0 .LBB2_14-.Ltmp9, $4  }
0xcd: {  	[tilespmem:s28], [sflag:$0x4] =	stream.linear.gather [hbm4b:s2+s6], $0x2000, $0x38;
	[tilespmem:$0x16080] =	vst v63  }
0xce: {  	_ =	swait.ge [sflag:s9], $0x2000  }
0xcf: {  	[sflag:s9] =	ssyncset.done $0x0  }
0xd0: {  	[sflag:s9] =	ssyncadd.s32 $0xFFFFE000  }
.LBB2_13:
0xd1: {  	_ =	swait.ge [sflag:s10], $0x2000  }
0xd2: {  	[sflag:s10] =	ssyncset.done $0x0  }
0xd3: {  	[sflag:s10] =	ssyncadd.s32 $0xFFFFE000  }
.LBB2_14:
0xd4: {  	s25 =	simm.s32 $0x0  }
0xd5: {  	s2 =	sand.u32 $0x1C00, s25;
	s5 =	sand.u32 $0x380, s25  }
0xd6: {  	s3 =	sor.u32 s2, s25;
	s2 =	sor.u32 s5, s2  }
0xd7: {  	v4 =	vld [tilespmem:s2+$0xA080]  }
0xd8: {  	v5 =	vld [tilespmem:s2+$0x4080]  }
0xd9: {  	s3 =	sor.u32 $0x70, s3;
	v7 =	vld [tilespmem:s2+$0xA090]  }
0xda: {  	v2 =	vld [tilespmem:s3+$0xA080]  }
0xdb: {  	v3 =	vld [tilespmem:s3+$0x4080]  }
0xdc: {  	v8 =	vld [tilespmem:s2+$0x4090]  }
0xdd: {  	v9 =	vld [tilespmem:s2+$0xA0A0]  }
0xde: {  	v10 =	vld [tilespmem:s2+$0x40A0]  }
0xdf: {  	v6 =	vld [tilespmem:s2+$0x40B0];
	v4 =	vadd.f32 v5, v4  }
0xe0: {  	v3 =	vadd.f32 v3, v2;
	v2 =	vld [tilespmem:s2+$0xA0B0]  }
0xe1: {  	v5 =	vadd.f32 v8, v7;
	[tilespmem:s2+$0x12080] =	vst v4;
	v4 =	vld [tilespmem:s2+$0x40C0]  }
0xe2: {  	[tilespmem:s3+$0x12080] =	vst v3;
	v3 =	vld [tilespmem:s2+$0xA0C0]  }
0xe3: {  	s26 =	simm.s32 $0x0;
	s28 =	simm.s32 $0x400;
	v7 =	vadd.f32 v10, v9;
	[tilespmem:s2+$0x12090] =	vst v5;
	v5 =	vld [tilespmem:s2+$0xA0D0]  }
.LBB2_15:
0xe4: {  	s3 =	sand.u32 $0x1C00, s28;
	v8 =	vld [tilespmem:s2+$0x40D0];
	s25 =	sadd.s32 $0x10, s25  }
0xe5: {  	s26 =	sadd.s32 $0x8, s26;
	s5 =	sand.u32 $0x380, s25;
	s12 =	sor.u32 s3, s25;
	[tilespmem:s2+$0x120A0] =	vst v7;
	v2 =	vadd.f32 v6, v2;
	v6 =	vld [tilespmem:s2+$0xA0E0]  }
0xe6: {  	p3 =	slt.u32 s26, $0x1F8;
	s3 =	sor.u32 s5, s3;
	s5 =	sor.u32 $0x70, s12;
	v7 =	vld [tilespmem:s2+$0x40E0]  }
0xe7: {  	v9 =	vld [tilespmem:s5+$0xA080];
	[tilespmem:s2+$0x120B0] =	vst v2;
	v2 =	vadd.f32 v4, v3  }
0xe8: {  	v3 =	vld [tilespmem:s5+$0x4080]  }
0xe9: {  	v4 =	vld [tilespmem:s3+$0xA080];
	[tilespmem:s2+$0x120C0] =	vst v2;
	v2 =	vadd.f32 v8, v5  }
0xea: {  	v5 =	vld [tilespmem:s3+$0x4080]  }
0xeb: {  	v8 =	vld [tilespmem:s3+$0xA090];
	[tilespmem:s2+$0x120D0] =	vst v2;
	v2 =	vadd.f32 v7, v6  }
0xec: {  	v7 =	vld [tilespmem:s3+$0x4090]  }
0xed: {  	v10 =	vld [tilespmem:s3+$0xA0A0];
	v3 =	vadd.f32 v3, v9;
	[tilespmem:s2+$0x120E0] =	vst v2;
	s2 =	smov.u32 s3  }
0xee: {  	v9 =	vld [tilespmem:s2+$0x40A0]  }
.Ltmp10:
0xef: {  	v4 =	vadd.f32 v5, v4;
	v2 =	vld [tilespmem:s2+$0xA0B0];
	[tilespmem:s5+$0x12080] =	vst v3;
	(pc) =	sbr.rel @p3 .LBB2_15-.Ltmp10, $4  }
0xf0: {  	v6 =	vld [tilespmem:s2+$0x40B0]  }
0xf1: {  	[tilespmem:s2+$0x12080] =	vst v4;
	v5 =	vadd.f32 v7, v8;
	v3 =	vld [tilespmem:s2+$0xA0C0]  }
0xf2: {  	v4 =	vld [tilespmem:s2+$0x40C0]  }
0xf3: {  	s28 =	sadd.s32 $0x400, s28;
	[tilespmem:s2+$0x12090] =	vst v5;
	v7 =	vadd.f32 v9, v10;
	v5 =	vld [tilespmem:s2+$0xA0D0]  }
0xf4: {  	v8 =	vld [tilespmem:s2+$0x40D0]  }
0xf5: {  	v9 =	vld [tilespmem:s2+$0xA0E0]  }
0xf6: {  	v10 =	vld [tilespmem:s2+$0x40E0];
	_ =	sdelay $0x1  }
0xf7: {  	v2 =	vadd.f32 v6, v2  }
0xf8: {  	[tilespmem:s2+$0x120A0] =	vst v7;
	v3 =	vadd.f32 v4, v3  }
.Ltmp11:
0xf9: {  	[tilespmem:s2+$0x120B0] =	vst v2;
	v2 =	vadd.f32 v8, v5;
	(pc) =	sbr.rel @p2 .LBB2_18-.Ltmp11, $4  }
0xfa: {  	[tilespmem:s2+$0x120C0] =	vst v3;
	v3 =	vadd.f32 v10, v9  }
0xfb: {  	[tilespmem:s2+$0x120D0] =	vst v2  }
0xfc: {  	s28 =	sadd.s32 s1, s19;
	[tilespmem:s2+$0x120E0] =	vst v3  }
0xfd: {  	[hbm4b:s28+s6] =	stream.linear.scatter [tilespmem:s11], [sflag:$0x9], $0x2000, $0x38;
	[tilespmem:$0x16080] =	vst v63  }
.Ltmp12:
0xfe: {  	(pc) =	sbr.rel .LBB2_19-.Ltmp12, $4  }
0xff: {  	_ = 	snop  }
0x100: {  	_ =	swait.ge [sflag:s14], $0x2000  }
0x101: {  	[sflag:s14] =	ssyncset.done $0x0  }
0x102: {  	[sflag:s14] =	ssyncadd.s32 $0xFFFFE000  }
.LBB2_18:
0x103: {  	s2 =	sshll.u32 s22, $0x7;
	s3 =	rddreg [dreg:$0xb]  }
.Ltmp13:
0x104: {  	s28 =	simm.s32 $0xA080;
	s2 =	sadd.s32 s2, s3;
	(pc) =	sbr.rel @p0 .LBB2_20-.Ltmp13, $4  }
0x105: {  	[tilespmem:s28], [sflag:$0x5] =	stream.linear.gather [hbm4b:s2+s6], $0x2000, $0x38;
	[tilespmem:$0x16080] =	vst v63  }
0x106: {  	_ =	swait.ge [sflag:s14], $0x2000  }
0x107: {  	[sflag:s14] =	ssyncset.done $0x0  }
0x108: {  	[sflag:s14] =	ssyncadd.s32 $0xFFFFE000  }
.LBB2_19:
0x109: {  	_ =	swait.ge [sflag:s15], $0x2000  }
0x10a: {  	[sflag:s15] =	ssyncset.done $0x0  }
0x10b: {  	[sflag:s15] =	ssyncadd.s32 $0xFFFFE000  }
.LBB2_20:
0x10c: {  	s25 =	simm.s32 $0x0  }
0x10d: {  	s2 =	sand.u32 $0x1C00, s25;
	s5 =	sand.u32 $0x380, s25  }
0x10e: {  	s3 =	sor.u32 s2, s25;
	s2 =	sor.u32 s5, s2  }
0x10f: {  	v4 =	vld [tilespmem:s2+$0xC080]  }
0x110: {  	v5 =	vld [tilespmem:s2+$0x4080]  }
0x111: {  	s3 =	sor.u32 $0x70, s3;
	v7 =	vld [tilespmem:s2+$0xC090]  }
0x112: {  	v2 =	vld [tilespmem:s3+$0xC080]  }
0x113: {  	v3 =	vld [tilespmem:s3+$0x4080]  }
0x114: {  	v8 =	vld [tilespmem:s2+$0x4090]  }
0x115: {  	v9 =	vld [tilespmem:s2+$0xC0A0]  }
0x116: {  	v10 =	vld [tilespmem:s2+$0x40A0]  }
0x117: {  	v6 =	vld [tilespmem:s2+$0x40B0];
	v4 =	vadd.f32 v5, v4  }
0x118: {  	v3 =	vadd.f32 v3, v2;
	v2 =	vld [tilespmem:s2+$0xC0B0]  }
0x119: {  	v5 =	vadd.f32 v8, v7;
	[tilespmem:s2+$0x14080] =	vst v4;
	v4 =	vld [tilespmem:s2+$0x40C0]  }
0x11a: {  	[tilespmem:s3+$0x14080] =	vst v3;
	v3 =	vld [tilespmem:s2+$0xC0C0]  }
0x11b: {  	s26 =	simm.s32 $0x0;
	s28 =	simm.s32 $0x400;
	v7 =	vadd.f32 v10, v9;
	[tilespmem:s2+$0x14090] =	vst v5;
	v5 =	vld [tilespmem:s2+$0xC0D0]  }
.LBB2_21:
0x11c: {  	s3 =	sand.u32 $0x1C00, s28;
	v8 =	vld [tilespmem:s2+$0x40D0];
	s25 =	sadd.s32 $0x10, s25  }
0x11d: {  	s26 =	sadd.s32 $0x8, s26;
	s5 =	sand.u32 $0x380, s25;
	s12 =	sor.u32 s3, s25;
	[tilespmem:s2+$0x140A0] =	vst v7;
	v2 =	vadd.f32 v6, v2;
	v6 =	vld [tilespmem:s2+$0xC0E0]  }
0x11e: {  	p0 =	slt.u32 s26, $0x1F8;
	s3 =	sor.u32 s5, s3;
	s5 =	sor.u32 $0x70, s12;
	v7 =	vld [tilespmem:s2+$0x40E0]  }
0x11f: {  	v9 =	vld [tilespmem:s5+$0xC080];
	[tilespmem:s2+$0x140B0] =	vst v2;
	v2 =	vadd.f32 v4, v3  }
0x120: {  	v3 =	vld [tilespmem:s5+$0x4080]  }
0x121: {  	v4 =	vld [tilespmem:s3+$0xC080];
	[tilespmem:s2+$0x140C0] =	vst v2;
	v2 =	vadd.f32 v8, v5  }
0x122: {  	v5 =	vld [tilespmem:s3+$0x4080]  }
0x123: {  	v8 =	vld [tilespmem:s3+$0xC090];
	[tilespmem:s2+$0x140D0] =	vst v2;
	v2 =	vadd.f32 v7, v6  }
0x124: {  	v7 =	vld [tilespmem:s3+$0x4090]  }
0x125: {  	v10 =	vld [tilespmem:s3+$0xC0A0];
	v3 =	vadd.f32 v3, v9;
	[tilespmem:s2+$0x140E0] =	vst v2;
	s2 =	smov.u32 s3  }
0x126: {  	v9 =	vld [tilespmem:s2+$0x40A0]  }
.Ltmp14:
0x127: {  	v4 =	vadd.f32 v5, v4;
	v2 =	vld [tilespmem:s2+$0xC0B0];
	[tilespmem:s5+$0x14080] =	vst v3;
	(pc) =	sbr.rel @p0 .LBB2_21-.Ltmp14, $4  }
0x128: {  	v6 =	vld [tilespmem:s2+$0x40B0]  }
0x129: {  	[tilespmem:s2+$0x14080] =	vst v4;
	v5 =	vadd.f32 v7, v8;
	v3 =	vld [tilespmem:s2+$0xC0C0]  }
0x12a: {  	v4 =	vld [tilespmem:s2+$0x40C0]  }
0x12b: {  	s28 =	sadd.s32 $0x400, s28;
	[tilespmem:s2+$0x14090] =	vst v5;
	v7 =	vadd.f32 v9, v10;
	v5 =	vld [tilespmem:s2+$0xC0D0]  }
0x12c: {  	v8 =	vld [tilespmem:s2+$0x40D0]  }
0x12d: {  	v9 =	vld [tilespmem:s2+$0xC0E0]  }
0x12e: {  	v10 =	vld [tilespmem:s2+$0x40E0];
	_ =	sdelay $0x1  }
0x12f: {  	v2 =	vadd.f32 v6, v2  }
0x130: {  	[tilespmem:s2+$0x140A0] =	vst v7;
	v3 =	vadd.f32 v4, v3  }
.Ltmp15:
0x131: {  	[tilespmem:s2+$0x140B0] =	vst v2;
	v2 =	vadd.f32 v8, v5;
	(pc) =	sbr.rel @p1 .LBB2_24-.Ltmp15, $4  }
0x132: {  	[tilespmem:s2+$0x140C0] =	vst v3;
	v3 =	vadd.f32 v10, v9  }
0x133: {  	[tilespmem:s2+$0x140D0] =	vst v2  }
0x134: {  	s1 =	sadd.s32 s1, s20;
	[tilespmem:s2+$0x140E0] =	vst v3  }
0x135: {  	[hbm4b:s1+s6] =	stream.linear.scatter [tilespmem:s17], [sflag:$0xA], $0x2000, $0x38;
	[tilespmem:$0x16080] =	vst v63  }
.Ltmp16:
0x136: {  	(pc) =	sbr.rel .LBB2_2-.Ltmp16, $4  }
0x137: {  	_ = 	snop  }
0x138: {  	s1 =	sshll.u32 s22, $0x7  }
0x139: {  	s21 =	sadd.s32 $0x1, s21;
	s1 =	sadd.s32 s1, s16  }
0x13a: {  	[tilespmem:s29], [sflag:$0x6] =	stream.linear.gather [hbm4b:s1+s6], $0x2000, $0x38;
	[tilespmem:$0x16080] =	vst v63  }
.LBB2_25:
0x13b: {  	_ =	sfence.sel $0x180000  }
0x13c: {  	[bflag:$0x0] =	sbarrier.arrive $0xFFFF  }
0x13d: {  	_ =	strace $0x90000047  }
0x13e: {  	s0 =	stileid.u32;
	[bflag:$0x2] =	sbarrier.arrive $0xFFFF  }
0x13f: {  	p0 =	sne.s32 s0, $0x0;
	s0 =	rddreg [dreg:$0x5]  }
0x140: {  	s0 =	sadd.s32 @!p0 $0x100000, s0  }
0x141: {  	[sflag:s0] =	ssyncadd.tile.s32 @!p0 $0x1;
	_ =	shalt  }
.Lfunc_end2:
_tile_overlayer_lowered:
.L_overlay_start_2:
0x142: {  	(tag) =	ssettag $0x2  }
0x143: {  	s0 =	rddreg [dreg:$0x0];
	s2 =	stileid.u32  }
0x144: {  	s1 =	rddreg [dreg:$0x1];
	p0 =	sne.s32 s2, $0x0  }
0x145: {  	s3 =	rddreg [dreg:$0x2];
	[bflag:$0x3] =	sbarrier.arrive $0xFFFF;
	s2 =	simm.s32 @!p0 $0x1C0B  }
0x146: {  	[timem:s3], [sflag:s2] =	dma.local @!p0 [hbm:s0], s1  }
0x147: {  	s0 =	simm.s32 @!p0 $0xB  }
0x148: {  	_ =	swait.ge @!p0 [sflag:s0], s1  }
0x149: {  	s1 =	ssub.s32 @!p0 $0x0, s1;
	[sflag:s0] =	ssyncset.done @!p0 $0x0  }
0x14a: {  	[sflag:s0] =	ssyncadd.s32 @!p0 s1  }
0x14b: {  	[bflag:$0x3] =	sbarrier.arrive $0xFFFF  }
0x14c: {  	_ =	shalt  }

</sc_bundles>
